<compile_context>
chip_gen: v7x
topology: tpu7x:2x2x1
jax: 0.10.2.dev20260603
libtpu: 0.0.44.dev20260713+nightly
codegen_flags: <defaults>
</compile_context>

<pallas_src>
import functools

import jax
import jax.numpy as jnp
from jax import lax
from jax.experimental import pallas as pl
from jax.experimental.pallas import tpu as pltpu
from jax.experimental.pallas import tpu_sc as plsc

_BATCH = 16384
_D = 64
_NC = 2
_NS = 16
_NW = _NC * _NS
_BPW = _BATCH // _NW
_PASS = 256
_CH = 128

_Q = 262144
_CB = 4096
_NB = _Q // _CB


def _pack_bf16(hi, lo):
    hb = (hi.view(jnp.int32) + 0x8000) & jnp.int32(-65536)
    lb = jnp.right_shift((lo.view(jnp.int32) + 0x8000).view(jnp.uint32),
                         16).view(jnp.int32)
    return (hb | lb).view(jnp.float32)


def _tp_body(a_ref, b_ref, c_ref, d_ref, o_ref):
    ta = jnp.swapaxes(a_ref[...], 0, 1)
    tb = jnp.swapaxes(b_ref[...], 0, 1)
    tc = jnp.swapaxes(c_ref[...], 0, 1)
    td = jnp.swapaxes(d_ref[...], 0, 1)
    o_ref[...] = jnp.concatenate(
        [_pack_bf16(ta, tb), _pack_bf16(tc, td)], axis=1)


def _pairify(tT):
    spec = lambda q: pl.BlockSpec(
        (_D, _CB), lambda g: (0, jnp.minimum(g + q * _NB, 244)))
    return pl.pallas_call(
        _tp_body,
        grid=(_NB,),
        in_specs=[spec(0), spec(1), spec(2), spec(3)],
        out_specs=pl.BlockSpec((_CB, 2 * _D), lambda g: (g, 0)),
        out_shape=jax.ShapeDtypeStruct((_Q, 2 * _D), jnp.float32),
    )(tT, tT, tT, tT)


def _make_gather():
    mesh = plsc.VectorSubcoreMesh(core_axis_name="c", subcore_axis_name="s")

    @functools.partial(
        pl.kernel,
        mesh=mesh,
        out_type=(
            jax.ShapeDtypeStruct((_BATCH, 2 * _D), jnp.float32),
            jax.ShapeDtypeStruct((_BATCH, 2 * _D), jnp.float32),
        ),
        scratch_types=[
            pltpu.VMEM((_BPW,), jnp.int32),
            pltpu.VMEM((_BPW,), jnp.int32),
            pltpu.VMEM((_PASS, 2 * _D), jnp.float32),
            pltpu.VMEM((_PASS, 2 * _D), jnp.float32),
            pltpu.SemaphoreType.DMA,
        ],
    )
    def gather2(uid_hbm, iid_hbm, up_hbm, ip_hbm, xu_hbm, xv_hbm,
                uidx, iidx, ublk, iblk, sem):
        wid = lax.axis_index("s") * _NC + lax.axis_index("c")
        base = wid * _BPW
        pltpu.sync_copy(uid_hbm.at[pl.ds(base, _BPW)], uidx)
        pltpu.sync_copy(iid_hbm.at[pl.ds(base, _BPW)], iidx)
        for j in range(_BPW // 16):
            uidx[pl.ds(j * 16, 16)] = uidx[pl.ds(j * 16, 16)] & (_Q - 1)
            iidx[pl.ds(j * 16, 16)] = iidx[pl.ds(j * 16, 16)] & (_Q - 1)

        for p in range(_BPW // _PASS):
            for c in range(_PASS // _CH):
                off = p * _PASS + c * _CH
                pltpu.async_copy(up_hbm.at[uidx.at[pl.ds(off, _CH)]],
                                 ublk.at[pl.ds(c * _CH, _CH)], sem)
                pltpu.async_copy(ip_hbm.at[iidx.at[pl.ds(off, _CH)]],
                                 iblk.at[pl.ds(c * _CH, _CH)], sem)
            pltpu.make_async_copy(
                xu_hbm.at[pl.ds(base + p * _PASS, _PASS)], ublk, sem).wait()
            pltpu.make_async_copy(
                xv_hbm.at[pl.ds(base + p * _PASS, _PASS)], iblk, sem).wait()
            pltpu.sync_copy(ublk, xu_hbm.at[pl.ds(base + p * _PASS, _PASS)])
            pltpu.sync_copy(iblk, xv_hbm.at[pl.ds(base + p * _PASS, _PASS)])

    return gather2


_gather2 = _make_gather()

_BLK = 2048


def _mlp_body(xu_ref, xv_ref, su_ref, si_ref, w1u_ref, w1v_ref, b1_ref,
              w2_ref, b2_ref, w3_ref, b3_ref, o_ref):
    def unpack(x2, q):
        w = jnp.where(q >= 2, x2[:, _D:], x2[:, :_D]).view(jnp.int32)
        bits = jnp.where((q & 1) == 1, jnp.left_shift(w, 16),
                         w & jnp.int32(-65536))
        return bits.view(jnp.float32)

    u = unpack(xu_ref[...], su_ref[...])
    v = unpack(xv_ref[...], si_ref[...])
    h = jnp.dot(u, w1u_ref[...], preferred_element_type=jnp.float32)
    h = h + jnp.dot(v, w1v_ref[...], preferred_element_type=jnp.float32)
    h = jnp.maximum(h + b1_ref[...], 0.0)
    h = jnp.maximum(
        jnp.dot(h, w2_ref[...], preferred_element_type=jnp.float32) + b2_ref[...],
        0.0)
    o_ref[...] = jnp.dot(h, w3_ref[...], preferred_element_type=jnp.float32) + b3_ref[...]


def _mlp(xu, xv, su, si, w1u, w1v, b1, w2, b2, w3, b3):
    full = lambda i: (0, 0)
    return pl.pallas_call(
        _mlp_body,
        grid=(_BATCH // _BLK,),
        in_specs=[
            pl.BlockSpec((_BLK, 2 * _D), lambda i: (i, 0)),
            pl.BlockSpec((_BLK, 2 * _D), lambda i: (i, 0)),
            pl.BlockSpec((_BLK, 1), lambda i: (i, 0)),
            pl.BlockSpec((_BLK, 1), lambda i: (i, 0)),
            pl.BlockSpec((_D, 64), full),
            pl.BlockSpec((_D, 64), full),
            pl.BlockSpec((1, 64), full),
            pl.BlockSpec((64, 32), full),
            pl.BlockSpec((1, 32), full),
            pl.BlockSpec((32, 1), full),
            pl.BlockSpec((1, 1), full),
        ],
        out_specs=pl.BlockSpec((_BLK, 1), lambda i: (i, 0)),
        out_shape=jax.ShapeDtypeStruct((_BATCH, 1), jnp.float32),
    )(xu, xv, su, si, w1u, w1v, b1, w2, b2, w3, b3)


def kernel(user_id, item_id, user_table, item_table, W1, b1, W2, b2, W3, b3):
    uid = user_id.astype(jnp.int32)
    iid = item_id.astype(jnp.int32)
    up = _pairify(jnp.swapaxes(user_table, 0, 1))
    ip = _pairify(jnp.swapaxes(item_table, 0, 1))
    xu, xv = _gather2(uid, iid, up, ip)
    su = jnp.right_shift(uid, 18).reshape(_BATCH, 1)
    si = jnp.right_shift(iid, 18).reshape(_BATCH, 1)
    return _mlp(xu, xv, su, si,
                W1[:_D], W1[_D:], b1.reshape(1, 64),
                W2, b2.reshape(1, 32),
                W3, b3.reshape(1, 1))

# --- scband reference (transcript-rebuilt; emitter-appended) ---
"""Pipeline reference for scband-neural-cf-61684320305622 (READ-ONLY COPY).

The authoritative reference and input builder live on the scoring server;
editing this copy changes nothing except your own understanding.
"""

import jax, jax.numpy as jnp
import numpy as np

NUM_USERS = 1000000
NUM_ITEMS = 1000000
EMBED_DIM = 64
BATCH = 16384


def setup_inputs(seed: int = 0) -> dict:
    key = jax.random.key(seed)
    k_uid, k_iid, k_ut, k_it, k_w1, k_b1, k_w2, k_b2, k_w3, k_b3 = jax.random.split(key, 10)
    user_id = jax.random.randint(k_uid, (BATCH,), 0, NUM_USERS, dtype=jnp.int64 if jax.config.jax_enable_x64 else jnp.int32)
    item_id = jax.random.randint(k_iid, (BATCH,), 0, NUM_ITEMS, dtype=jnp.int64 if jax.config.jax_enable_x64 else jnp.int32)
    user_table = jax.random.normal(k_ut, (NUM_USERS, EMBED_DIM), dtype=jnp.float32) * 0.02
    item_table = jax.random.normal(k_it, (NUM_ITEMS, EMBED_DIM), dtype=jnp.float32) * 0.02
    W1 = jax.random.normal(k_w1, (EMBED_DIM * 2, 64), dtype=jnp.float32) * (1.0 / np.sqrt(EMBED_DIM * 2))
    b1 = jnp.zeros((64,), dtype=jnp.float32)
    W2 = jax.random.normal(k_w2, (64, 32), dtype=jnp.float32) * (1.0 / np.sqrt(64))
    b2 = jnp.zeros((32,), dtype=jnp.float32)
    W3 = jax.random.normal(k_w3, (32, 1), dtype=jnp.float32) * (1.0 / np.sqrt(32))
    b3 = jnp.zeros((1,), dtype=jnp.float32)
    return {"user_id": user_id, "item_id": item_id, "user_table": user_table, "item_table": item_table, "W1": W1, "b1": b1, "W2": W2, "b2": b2, "W3": W3, "b3": b3}


def reference(user_id, item_id, user_table, item_table, W1, b1, W2, b2, W3, b3):
    user_embedded = jnp.take(user_table, user_id, axis=0)
    item_embedded = jnp.take(item_table, item_id, axis=0)
    x = jnp.concatenate([user_embedded, item_embedded], axis=1)
    h = jax.nn.relu(x @ W1 + b1)
    h = jax.nn.relu(h @ W2 + b2)
    out = h @ W3 + b3
    return out

if __name__ == "__main__":
    import jax
    _d = setup_inputs()
    print(jax.jit(kernel)(*tuple(_d.values())))

</pallas_src>

<mosaic_0001>
#map = affine_map<(d0, d1) -> (0)>
#map1 = affine_map<(d0, d1) -> (0, 0)>
module attributes {stable_mosaic.version = 14 : i64} {
  func.func @gather2(%arg0: i32, %arg1: i32, %arg2: memref<16384xi32, #tpu.memory_space<hbm>>, %arg3: memref<16384xi32, #tpu.memory_space<hbm>>, %arg4: memref<262144x128xf32, #tpu.memory_space<hbm>>, %arg5: memref<262144x128xf32, #tpu.memory_space<hbm>>, %arg6: memref<16384x128xf32, #tpu.memory_space<hbm>>, %arg7: memref<16384x128xf32, #tpu.memory_space<hbm>>, %arg8: memref<512xi32, #tpu.memory_space<vmem>>, %arg9: memref<512xi32, #tpu.memory_space<vmem>>, %arg10: memref<256x128xf32, #tpu.memory_space<vmem>>, %arg11: memref<256x128xf32, #tpu.memory_space<vmem>>, %arg12: memref<!tpu.dma_semaphore, #tpu.memory_space<semaphore_mem>>) attributes {dimension_semantics = [#tpu.dimension_semantics<core_parallel>, #tpu.dimension_semantics<subcore_parallel>], iteration_bounds = array<i64: 2, 16>, scalar_prefetch = 0 : i64, scratch_operands = 5 : i64, tpu.core_type = #tpu.core_type<sc_vector_subcore>, window_params = [{transform_indices = #map}, {transform_indices = #map}, {transform_indices = #map1}, {transform_indices = #map1}, {transform_indices = #map1}, {transform_indices = #map1}]} {
    %mul3A = arith.constant 2 : i32
    %mul3A_0 = arith.muli %arg1, %mul3A : i32
    %add3A = arith.addi %mul3A_0, %arg0 : i32
    %mul3A_1 = arith.constant 512 : i32
    %mul3A_2 = arith.muli %add3A, %mul3A_1 : i32
    "tpu.region"() ({
      %run_scoped3A = tpu.sem_alloc : memref<!tpu.dma_semaphore, #tpu.memory_space<semaphore_mem>>
      %dma_start3A_734 = tpu.memref_slice %arg2[%mul3A_2] : memref<16384xi32, #tpu.memory_space<hbm>> -> memref<512xi32, #tpu.memory_space<hbm>>
      %dma_start3A_735 = tpu.memref_slice %arg2[%mul3A_2] : memref<16384xi32, #tpu.memory_space<hbm>> -> memref<512xi32, #tpu.memory_space<hbm>>
      tpu.enqueue_dma source(%dma_start3A_735 : memref<512xi32, #tpu.memory_space<hbm>>) target(%arg8 : memref<512xi32, #tpu.memory_space<vmem>>) target_semaphore(%run_scoped3A : memref<!tpu.dma_semaphore, #tpu.memory_space<semaphore_mem>>)
      %dma_wait3A_736 = tpu.memref_slice %arg2[%mul3A_2] : memref<16384xi32, #tpu.memory_space<hbm>> -> memref<512xi32, #tpu.memory_space<hbm>>
      %dma_wait3A_737 = tpu.memref_slice %arg2[%mul3A_2] : memref<16384xi32, #tpu.memory_space<hbm>> -> memref<512xi32, #tpu.memory_space<hbm>>
      tpu.wait_dma2 semaphore(%run_scoped3A : memref<!tpu.dma_semaphore, #tpu.memory_space<semaphore_mem>>) src(%dma_wait3A_737 : memref<512xi32, #tpu.memory_space<hbm>>) dst(%arg8 : memref<512xi32, #tpu.memory_space<vmem>>)
      tpu.yield
    }) : () -> ()
    "tpu.region"() ({
      %run_scoped3A = tpu.sem_alloc : memref<!tpu.dma_semaphore, #tpu.memory_space<semaphore_mem>>
      %dma_start3A_734 = tpu.memref_slice %arg3[%mul3A_2] : memref<16384xi32, #tpu.memory_space<hbm>> -> memref<512xi32, #tpu.memory_space<hbm>>
      %dma_start3A_735 = tpu.memref_slice %arg3[%mul3A_2] : memref<16384xi32, #tpu.memory_space<hbm>> -> memref<512xi32, #tpu.memory_space<hbm>>
      tpu.enqueue_dma source(%dma_start3A_735 : memref<512xi32, #tpu.memory_space<hbm>>) target(%arg9 : memref<512xi32, #tpu.memory_space<vmem>>) target_semaphore(%run_scoped3A : memref<!tpu.dma_semaphore, #tpu.memory_space<semaphore_mem>>)
      %dma_wait3A_736 = tpu.memref_slice %arg3[%mul3A_2] : memref<16384xi32, #tpu.memory_space<hbm>> -> memref<512xi32, #tpu.memory_space<hbm>>
      %dma_wait3A_737 = tpu.memref_slice %arg3[%mul3A_2] : memref<16384xi32, #tpu.memory_space<hbm>> -> memref<512xi32, #tpu.memory_space<hbm>>
      tpu.wait_dma2 semaphore(%run_scoped3A : memref<!tpu.dma_semaphore, #tpu.memory_space<semaphore_mem>>) src(%dma_wait3A_737 : memref<512xi32, #tpu.memory_space<hbm>>) dst(%arg9 : memref<512xi32, #tpu.memory_space<vmem>>)
      tpu.yield
    }) : () -> ()
    %get3A = arith.constant 0 : index
    %get3A_3 = tpu.vector_load %arg8[%get3A] {strides = array<i32>} : memref<512xi32, #tpu.memory_space<vmem>>, vector<16xi32>,
    %get3A_4 = vector.shape_cast %get3A_3 : vector<16xi32> to vector<16xi32>
    %and3A = arith.constant 262143 : i32
    %and3A_5 = vector.broadcast %and3A : i32 to vector<16xi32>
    %and3A_6 = arith.andi %get3A_4, %and3A_5 : vector<16xi32>
    %swap3A = arith.constant 0 : index
    %swap3A_7 = tpu.vector_load %arg8[%swap3A] {strides = array<i32>} : memref<512xi32, #tpu.memory_space<vmem>>, vector<16xi32>,
    %swap3A_8 = vector.shape_cast %swap3A_7 : vector<16xi32> to vector<16xi32>
    %swap3A_9 = vector.shape_cast %and3A_6 : vector<16xi32> to vector<16xi32>
    tpu.vector_store %arg8[%swap3A], %swap3A_9 {strides = array<i32>} : memref<512xi32, #tpu.memory_space<vmem>>, vector<16xi32>,
    %get3A_10 = arith.constant 0 : index
    %get3A_11 = tpu.vector_load %arg9[%get3A_10] {strides = array<i32>} : memref<512xi32, #tpu.memory_space<vmem>>, vector<16xi32>,
    %get3A_12 = vector.shape_cast %get3A_11 : vector<16xi32> to vector<16xi32>
    %and3A_13 = arith.constant 262143 : i32
    %and3A_14 = vector.broadcast %and3A_13 : i32 to vector<16xi32>
    %and3A_15 = arith.andi %get3A_12, %and3A_14 : vector<16xi32>
    %swap3A_16 = arith.constant 0 : index
    %swap3A_17 = tpu.vector_load %arg9[%swap3A_16] {strides = array<i32>} : memref<512xi32, #tpu.memory_space<vmem>>, vector<16xi32>,
    %swap3A_18 = vector.shape_cast %swap3A_17 : vector<16xi32> to vector<16xi32>
    %swap3A_19 = vector.shape_cast %and3A_15 : vector<16xi32> to vector<16xi32>
    tpu.vector_store %arg9[%swap3A_16], %swap3A_19 {strides = array<i32>} : memref<512xi32, #tpu.memory_space<vmem>>, vector<16xi32>,
    %get3A_20 = arith.constant 16 : index
    %get3A_21 = tpu.vector_load %arg8[%get3A_20] {strides = array<i32>} : memref<512xi32, #tpu.memory_space<vmem>>, vector<16xi32>,
    %get3A_22 = vector.shape_cast %get3A_21 : vector<16xi32> to vector<16xi32>
    %and3A_23 = arith.constant 262143 : i32
    %and3A_24 = vector.broadcast %and3A_23 : i32 to vector<16xi32>
    %and3A_25 = arith.andi %get3A_22, %and3A_24 : vector<16xi32>
    %swap3A_26 = arith.constant 16 : index
    %swap3A_27 = tpu.vector_load %arg8[%swap3A_26] {strides = array<i32>} : memref<512xi32, #tpu.memory_space<vmem>>, vector<16xi32>,
    %swap3A_28 = vector.shape_cast %swap3A_27 : vector<16xi32> to vector<16xi32>
    %swap3A_29 = vector.shape_cast %and3A_25 : vector<16xi32> to vector<16xi32>
    tpu.vector_store %arg8[%swap3A_26], %swap3A_29 {strides = array<i32>} : memref<512xi32, #tpu.memory_space<vmem>>, vector<16xi32>,
    %get3A_30 = arith.constant 16 : index
    %get3A_31 = tpu.vector_load %arg9[%get3A_30] {strides = array<i32>} : memref<512xi32, #tpu.memory_space<vmem>>, vector<16xi32>,
    %get3A_32 = vector.shape_cast %get3A_31 : vector<16xi32> to vector<16xi32>
    %and3A_33 = arith.constant 262143 : i32
    %and3A_34 = vector.broadcast %and3A_33 : i32 to vector<16xi32>
    %and3A_35 = arith.andi %get3A_32, %and3A_34 : vector<16xi32>
    %swap3A_36 = arith.constant 16 : index
    %swap3A_37 = tpu.vector_load %arg9[%swap3A_36] {strides = array<i32>} : memref<512xi32, #tpu.memory_space<vmem>>, vector<16xi32>,
    %swap3A_38 = vector.shape_cast %swap3A_37 : vector<16xi32> to vector<16xi32>
    %swap3A_39 = vector.shape_cast %and3A_35 : vector<16xi32> to vector<16xi32>
    tpu.vector_store %arg9[%swap3A_36], %swap3A_39 {strides = array<i32>} : memref<512xi32, #tpu.memory_space<vmem>>, vector<16xi32>,
    %get3A_40 = arith.constant 32 : index
    %get3A_41 = tpu.vector_load %arg8[%get3A_40] {strides = array<i32>} : memref<512xi32, #tpu.memory_space<vmem>>, vector<16xi32>,
    %get3A_42 = vector.shape_cast %get3A_41 : vector<16xi32> to vector<16xi32>
    %and3A_43 = arith.constant 262143 : i32
    %and3A_44 = vector.broadcast %and3A_43 : i32 to vector<16xi32>
    %and3A_45 = arith.andi %get3A_42, %and3A_44 : vector<16xi32>
    %swap3A_46 = arith.constant 32 : index
    %swap3A_47 = tpu.vector_load %arg8[%swap3A_46] {strides = array<i32>} : memref<512xi32, #tpu.memory_space<vmem>>, vector<16xi32>,
    %swap3A_48 = vector.shape_cast %swap3A_47 : vector<16xi32> to vector<16xi32>
    %swap3A_49 = vector.shape_cast %and3A_45 : vector<16xi32> to vector<16xi32>
    tpu.vector_store %arg8[%swap3A_46], %swap3A_49 {strides = array<i32>} : memref<512xi32, #tpu.memory_space<vmem>>, vector<16xi32>,
    %get3A_50 = arith.constant 32 : index
    %get3A_51 = tpu.vector_load %arg9[%get3A_50] {strides = array<i32>} : memref<512xi32, #tpu.memory_space<vmem>>, vector<16xi32>,
    %get3A_52 = vector.shape_cast %get3A_51 : vector<16xi32> to vector<16xi32>
    %and3A_53 = arith.constant 262143 : i32
    %and3A_54 = vector.broadcast %and3A_53 : i32 to vector<16xi32>
    %and3A_55 = arith.andi %get3A_52, %and3A_54 : vector<16xi32>
    %swap3A_56 = arith.constant 32 : index
    %swap3A_57 = tpu.vector_load %arg9[%swap3A_56] {strides = array<i32>} : memref<512xi32, #tpu.memory_space<vmem>>, vector<16xi32>,
    %swap3A_58 = vector.shape_cast %swap3A_57 : vector<16xi32> to vector<16xi32>
    %swap3A_59 = vector.shape_cast %and3A_55 : vector<16xi32> to vector<16xi32>
    tpu.vector_store %arg9[%swap3A_56], %swap3A_59 {strides = array<i32>} : memref<512xi32, #tpu.memory_space<vmem>>, vector<16xi32>,
    %get3A_60 = arith.constant 48 : index
    %get3A_61 = tpu.vector_load %arg8[%get3A_60] {strides = array<i32>} : memref<512xi32, #tpu.memory_space<vmem>>, vector<16xi32>,
    %get3A_62 = vector.shape_cast %get3A_61 : vector<16xi32> to vector<16xi32>
    %and3A_63 = arith.constant 262143 : i32
    %and3A_64 = vector.broadcast %and3A_63 : i32 to vector<16xi32>
    %and3A_65 = arith.andi %get3A_62, %and3A_64 : vector<16xi32>
    %swap3A_66 = arith.constant 48 : index
    %swap3A_67 = tpu.vector_load %arg8[%swap3A_66] {strides = array<i32>} : memref<512xi32, #tpu.memory_space<vmem>>, vector<16xi32>,
    %swap3A_68 = vector.shape_cast %swap3A_67 : vector<16xi32> to vector<16xi32>
    %swap3A_69 = vector.shape_cast %and3A_65 : vector<16xi32> to vector<16xi32>
    tpu.vector_store %arg8[%swap3A_66], %swap3A_69 {strides = array<i32>} : memref<512xi32, #tpu.memory_space<vmem>>, vector<16xi32>,
    %get3A_70 = arith.constant 48 : index
    %get3A_71 = tpu.vector_load %arg9[%get3A_70] {strides = array<i32>} : memref<512xi32, #tpu.memory_space<vmem>>, vector<16xi32>,
    %get3A_72 = vector.shape_cast %get3A_71 : vector<16xi32> to vector<16xi32>
    %and3A_73 = arith.constant 262143 : i32
    %and3A_74 = vector.broadcast %and3A_73 : i32 to vector<16xi32>
    %and3A_75 = arith.andi %get3A_72, %and3A_74 : vector<16xi32>
    %swap3A_76 = arith.constant 48 : index
    %swap3A_77 = tpu.vector_load %arg9[%swap3A_76] {strides = array<i32>} : memref<512xi32, #tpu.memory_space<vmem>>, vector<16xi32>,
    %swap3A_78 = vector.shape_cast %swap3A_77 : vector<16xi32> to vector<16xi32>
    %swap3A_79 = vector.shape_cast %and3A_75 : vector<16xi32> to vector<16xi32>
    tpu.vector_store %arg9[%swap3A_76], %swap3A_79 {strides = array<i32>} : memref<512xi32, #tpu.memory_space<vmem>>, vector<16xi32>,
    %get3A_80 = arith.constant 64 : index
    %get3A_81 = tpu.vector_load %arg8[%get3A_80] {strides = array<i32>} : memref<512xi32, #tpu.memory_space<vmem>>, vector<16xi32>,
    %get3A_82 = vector.shape_cast %get3A_81 : vector<16xi32> to vector<16xi32>
    %and3A_83 = arith.constant 262143 : i32
    %and3A_84 = vector.broadcast %and3A_83 : i32 to vector<16xi32>
    %and3A_85 = arith.andi %get3A_82, %and3A_84 : vector<16xi32>
    %swap3A_86 = arith.constant 64 : index
    %swap3A_87 = tpu.vector_load %arg8[%swap3A_86] {strides = array<i32>} : memref<512xi32, #tpu.memory_space<vmem>>, vector<16xi32>,
    %swap3A_88 = vector.shape_cast %swap3A_87 : vector<16xi32> to vector<16xi32>
    %swap3A_89 = vector.shape_cast %and3A_85 : vector<16xi32> to vector<16xi32>
    tpu.vector_store %arg8[%swap3A_86], %swap3A_89 {strides = array<i32>} : memref<512xi32, #tpu.memory_space<vmem>>, vector<16xi32>,
    %get3A_90 = arith.constant 64 : index
    %get3A_91 = tpu.vector_load %arg9[%get3A_90] {strides = array<i32>} : memref<512xi32, #tpu.memory_space<vmem>>, vector<16xi32>,
    %get3A_92 = vector.shape_cast %get3A_91 : vector<16xi32> to vector<16xi32>
    %and3A_93 = arith.constant 262143 : i32
    %and3A_94 = vector.broadcast %and3A_93 : i32 to vector<16xi32>
    %and3A_95 = arith.andi %get3A_92, %and3A_94 : vector<16xi32>
    %swap3A_96 = arith.constant 64 : index
    %swap3A_97 = tpu.vector_load %arg9[%swap3A_96] {strides = array<i32>} : memref<512xi32, #tpu.memory_space<vmem>>, vector<16xi32>,
    %swap3A_98 = vector.shape_cast %swap3A_97 : vector<16xi32> to vector<16xi32>
    %swap3A_99 = vector.shape_cast %and3A_95 : vector<16xi32> to vector<16xi32>
    tpu.vector_store %arg9[%swap3A_96], %swap3A_99 {strides = array<i32>} : memref<512xi32, #tpu.memory_space<vmem>>, vector<16xi32>,
    %get3A_100 = arith.constant 80 : index
    %get3A_101 = tpu.vector_load %arg8[%get3A_100] {strides = array<i32>} : memref<512xi32, #tpu.memory_space<vmem>>, vector<16xi32>,
    %get3A_102 = vector.shape_cast %get3A_101 : vector<16xi32> to vector<16xi32>
    %and3A_103 = arith.constant 262143 : i32
    %and3A_104 = vector.broadcast %and3A_103 : i32 to vector<16xi32>
    %and3A_105 = arith.andi %get3A_102, %and3A_104 : vector<16xi32>
    %swap3A_106 = arith.constant 80 : index
    %swap3A_107 = tpu.vector_load %arg8[%swap3A_106] {strides = array<i32>} : memref<512xi32, #tpu.memory_space<vmem>>, vector<16xi32>,
    %swap3A_108 = vector.shape_cast %swap3A_107 : vector<16xi32> to vector<16xi32>
    %swap3A_109 = vector.shape_cast %and3A_105 : vector<16xi32> to vector<16xi32>
    tpu.vector_store %arg8[%swap3A_106], %swap3A_109 {strides = array<i32>} : memref<512xi32, #tpu.memory_space<vmem>>, vector<16xi32>,
    %get3A_110 = arith.constant 80 : index
    %get3A_111 = tpu.vector_load %arg9[%get3A_110] {strides = array<i32>} : memref<512xi32, #tpu.memory_space<vmem>>, vector<16xi32>,
    %get3A_112 = vector.shape_cast %get3A_111 : vector<16xi32> to vector<16xi32>
    %and3A_113 = arith.constant 262143 : i32
    %and3A_114 = vector.broadcast %and3A_113 : i32 to vector<16xi32>
    %and3A_115 = arith.andi %get3A_112, %and3A_114 : vector<16xi32>
    %swap3A_116 = arith.constant 80 : index
    %swap3A_117 = tpu.vector_load %arg9[%swap3A_116] {strides = array<i32>} : memref<512xi32, #tpu.memory_space<vmem>>, vector<16xi32>,
    %swap3A_118 = vector.shape_cast %swap3A_117 : vector<16xi32> to vector<16xi32>
    %swap3A_119 = vector.shape_cast %and3A_115 : vector<16xi32> to vector<16xi32>
    tpu.vector_store %arg9[%swap3A_116], %swap3A_119 {strides = array<i32>} : memref<512xi32, #tpu.memory_space<vmem>>, vector<16xi32>,
    %get3A_120 = arith.constant 96 : index
    %get3A_121 = tpu.vector_load %arg8[%get3A_120] {strides = array<i32>} : memref<512xi32, #tpu.memory_space<vmem>>, vector<16xi32>,
    %get3A_122 = vector.shape_cast %get3A_121 : vector<16xi32> to vector<16xi32>
    %and3A_123 = arith.constant 262143 : i32
    %and3A_124 = vector.broadcast %and3A_123 : i32 to vector<16xi32>
    %and3A_125 = arith.andi %get3A_122, %and3A_124 : vector<16xi32>
    %swap3A_126 = arith.constant 96 : index
    %swap3A_127 = tpu.vector_load %arg8[%swap3A_126] {strides = array<i32>} : memref<512xi32, #tpu.memory_space<vmem>>, vector<16xi32>,
    %swap3A_128 = vector.shape_cast %swap3A_127 : vector<16xi32> to vector<16xi32>
    %swap3A_129 = vector.shape_cast %and3A_125 : vector<16xi32> to vector<16xi32>
    tpu.vector_store %arg8[%swap3A_126], %swap3A_129 {strides = array<i32>} : memref<512xi32, #tpu.memory_space<vmem>>, vector<16xi32>,
    %get3A_130 = arith.constant 96 : index
    %get3A_131 = tpu.vector_load %arg9[%get3A_130] {strides = array<i32>} : memref<512xi32, #tpu.memory_space<vmem>>, vector<16xi32>,
    %get3A_132 = vector.shape_cast %get3A_131 : vector<16xi32> to vector<16xi32>
    %and3A_133 = arith.constant 262143 : i32
    %and3A_134 = vector.broadcast %and3A_133 : i32 to vector<16xi32>
    %and3A_135 = arith.andi %get3A_132, %and3A_134 : vector<16xi32>
    %swap3A_136 = arith.constant 96 : index
    %swap3A_137 = tpu.vector_load %arg9[%swap3A_136] {strides = array<i32>} : memref<512xi32, #tpu.memory_space<vmem>>, vector<16xi32>,
    %swap3A_138 = vector.shape_cast %swap3A_137 : vector<16xi32> to vector<16xi32>
    %swap3A_139 = vector.shape_cast %and3A_135 : vector<16xi32> to vector<16xi32>
    tpu.vector_store %arg9[%swap3A_136], %swap3A_139 {strides = array<i32>} : memref<512xi32, #tpu.memory_space<vmem>>, vector<16xi32>,
    %get3A_140 = arith.constant 112 : index
    %get3A_141 = tpu.vector_load %arg8[%get3A_140] {strides = array<i32>} : memref<512xi32, #tpu.memory_space<vmem>>, vector<16xi32>,
    %get3A_142 = vector.shape_cast %get3A_141 : vector<16xi32> to vector<16xi32>
    %and3A_143 = arith.constant 262143 : i32
    %and3A_144 = vector.broadcast %and3A_143 : i32 to vector<16xi32>
    %and3A_145 = arith.andi %get3A_142, %and3A_144 : vector<16xi32>
    %swap3A_146 = arith.constant 112 : index
    %swap3A_147 = tpu.vector_load %arg8[%swap3A_146] {strides = array<i32>} : memref<512xi32, #tpu.memory_space<vmem>>, vector<16xi32>,
    %swap3A_148 = vector.shape_cast %swap3A_147 : vector<16xi32> to vector<16xi32>
    %swap3A_149 = vector.shape_cast %and3A_145 : vector<16xi32> to vector<16xi32>
    tpu.vector_store %arg8[%swap3A_146], %swap3A_149 {strides = array<i32>} : memref<512xi32, #tpu.memory_space<vmem>>, vector<16xi32>,
    %get3A_150 = arith.constant 112 : index
    %get3A_151 = tpu.vector_load %arg9[%get3A_150] {strides = array<i32>} : memref<512xi32, #tpu.memory_space<vmem>>, vector<16xi32>,
    %get3A_152 = vector.shape_cast %get3A_151 : vector<16xi32> to vector<16xi32>
    %and3A_153 = arith.constant 262143 : i32
    %and3A_154 = vector.broadcast %and3A_153 : i32 to vector<16xi32>
    %and3A_155 = arith.andi %get3A_152, %and3A_154 : vector<16xi32>
    %swap3A_156 = arith.constant 112 : index
    %swap3A_157 = tpu.vector_load %arg9[%swap3A_156] {strides = array<i32>} : memref<512xi32, #tpu.memory_space<vmem>>, vector<16xi32>,
    %swap3A_158 = vector.shape_cast %swap3A_157 : vector<16xi32> to vector<16xi32>
    %swap3A_159 = vector.shape_cast %and3A_155 : vector<16xi32> to vector<16xi32>
    tpu.vector_store %arg9[%swap3A_156], %swap3A_159 {strides = array<i32>} : memref<512xi32, #tpu.memory_space<vmem>>, vector<16xi32>,
    %get3A_160 = arith.constant 128 : index
    %get3A_161 = tpu.vector_load %arg8[%get3A_160] {strides = array<i32>} : memref<512xi32, #tpu.memory_space<vmem>>, vector<16xi32>,
    %get3A_162 = vector.shape_cast %get3A_161 : vector<16xi32> to vector<16xi32>
    %and3A_163 = arith.constant 262143 : i32
    %and3A_164 = vector.broadcast %and3A_163 : i32 to vector<16xi32>
    %and3A_165 = arith.andi %get3A_162, %and3A_164 : vector<16xi32>
    %swap3A_166 = arith.constant 128 : index
    %swap3A_167 = tpu.vector_load %arg8[%swap3A_166] {strides = array<i32>} : memref<512xi32, #tpu.memory_space<vmem>>, vector<16xi32>,
    %swap3A_168 = vector.shape_cast %swap3A_167 : vector<16xi32> to vector<16xi32>
    %swap3A_169 = vector.shape_cast %and3A_165 : vector<16xi32> to vector<16xi32>
    tpu.vector_store %arg8[%swap3A_166], %swap3A_169 {strides = array<i32>} : memref<512xi32, #tpu.memory_space<vmem>>, vector<16xi32>,
    %get3A_170 = arith.constant 128 : index
    %get3A_171 = tpu.vector_load %arg9[%get3A_170] {strides = array<i32>} : memref<512xi32, #tpu.memory_space<vmem>>, vector<16xi32>,
    %get3A_172 = vector.shape_cast %get3A_171 : vector<16xi32> to vector<16xi32>
    %and3A_173 = arith.constant 262143 : i32
    %and3A_174 = vector.broadcast %and3A_173 : i32 to vector<16xi32>
    %and3A_175 = arith.andi %get3A_172, %and3A_174 : vector<16xi32>
    %swap3A_176 = arith.constant 128 : index
    %swap3A_177 = tpu.vector_load %arg9[%swap3A_176] {strides = array<i32>} : memref<512xi32, #tpu.memory_space<vmem>>, vector<16xi32>,
    %swap3A_178 = vector.shape_cast %swap3A_177 : vector<16xi32> to vector<16xi32>
    %swap3A_179 = vector.shape_cast %and3A_175 : vector<16xi32> to vector<16xi32>
    tpu.vector_store %arg9[%swap3A_176], %swap3A_179 {strides = array<i32>} : memref<512xi32, #tpu.memory_space<vmem>>, vector<16xi32>,
    %get3A_180 = arith.constant 144 : index
    %get3A_181 = tpu.vector_load %arg8[%get3A_180] {strides = array<i32>} : memref<512xi32, #tpu.memory_space<vmem>>, vector<16xi32>,
    %get3A_182 = vector.shape_cast %get3A_181 : vector<16xi32> to vector<16xi32>
    %and3A_183 = arith.constant 262143 : i32
    %and3A_184 = vector.broadcast %and3A_183 : i32 to vector<16xi32>
    %and3A_185 = arith.andi %get3A_182, %and3A_184 : vector<16xi32>
    %swap3A_186 = arith.constant 144 : index
    %swap3A_187 = tpu.vector_load %arg8[%swap3A_186] {strides = array<i32>} : memref<512xi32, #tpu.memory_space<vmem>>, vector<16xi32>,
    %swap3A_188 = vector.shape_cast %swap3A_187 : vector<16xi32> to vector<16xi32>
    %swap3A_189 = vector.shape_cast %and3A_185 : vector<16xi32> to vector<16xi32>
    tpu.vector_store %arg8[%swap3A_186], %swap3A_189 {strides = array<i32>} : memref<512xi32, #tpu.memory_space<vmem>>, vector<16xi32>,
    %get3A_190 = arith.constant 144 : index
    %get3A_191 = tpu.vector_load %arg9[%get3A_190] {strides = array<i32>} : memref<512xi32, #tpu.memory_space<vmem>>, vector<16xi32>,
    %get3A_192 = vector.shape_cast %get3A_191 : vector<16xi32> to vector<16xi32>
    %and3A_193 = arith.constant 262143 : i32
    %and3A_194 = vector.broadcast %and3A_193 : i32 to vector<16xi32>
    %and3A_195 = arith.andi %get3A_192, %and3A_194 : vector<16xi32>
    %swap3A_196 = arith.constant 144 : index
    %swap3A_197 = tpu.vector_load %arg9[%swap3A_196] {strides = array<i32>} : memref<512xi32, #tpu.memory_space<vmem>>, vector<16xi32>,
    %swap3A_198 = vector.shape_cast %swap3A_197 : vector<16xi32> to vector<16xi32>
    %swap3A_199 = vector.shape_cast %and3A_195 : vector<16xi32> to vector<16xi32>
    tpu.vector_store %arg9[%swap3A_196], %swap3A_199 {strides = array<i32>} : memref<512xi32, #tpu.memory_space<vmem>>, vector<16xi32>,
    %get3A_200 = arith.constant 160 : index
    %get3A_201 = tpu.vector_load %arg8[%get3A_200] {strides = array<i32>} : memref<512xi32, #tpu.memory_space<vmem>>, vector<16xi32>,
    %get3A_202 = vector.shape_cast %get3A_201 : vector<16xi32> to vector<16xi32>
    %and3A_203 = arith.constant 262143 : i32
    %and3A_204 = vector.broadcast %and3A_203 : i32 to vector<16xi32>
    %and3A_205 = arith.andi %get3A_202, %and3A_204 : vector<16xi32>
    %swap3A_206 = arith.constant 160 : index
    %swap3A_207 = tpu.vector_load %arg8[%swap3A_206] {strides = array<i32>} : memref<512xi32, #tpu.memory_space<vmem>>, vector<16xi32>,
    %swap3A_208 = vector.shape_cast %swap3A_207 : vector<16xi32> to vector<16xi32>
    %swap3A_209 = vector.shape_cast %and3A_205 : vector<16xi32> to vector<16xi32>
    tpu.vector_store %arg8[%swap3A_206], %swap3A_209 {strides = array<i32>} : memref<512xi32, #tpu.memory_space<vmem>>, vector<16xi32>,
    %get3A_210 = arith.constant 160 : index
    %get3A_211 = tpu.vector_load %arg9[%get3A_210] {strides = array<i32>} : memref<512xi32, #tpu.memory_space<vmem>>, vector<16xi32>,
    %get3A_212 = vector.shape_cast %get3A_211 : vector<16xi32> to vector<16xi32>
    %and3A_213 = arith.constant 262143 : i32
    %and3A_214 = vector.broadcast %and3A_213 : i32 to vector<16xi32>
    %and3A_215 = arith.andi %get3A_212, %and3A_214 : vector<16xi32>
    %swap3A_216 = arith.constant 160 : index
    %swap3A_217 = tpu.vector_load %arg9[%swap3A_216] {strides = array<i32>} : memref<512xi32, #tpu.memory_space<vmem>>, vector<16xi32>,
    %swap3A_218 = vector.shape_cast %swap3A_217 : vector<16xi32> to vector<16xi32>
    %swap3A_219 = vector.shape_cast %and3A_215 : vector<16xi32> to vector<16xi32>
    tpu.vector_store %arg9[%swap3A_216], %swap3A_219 {strides = array<i32>} : memref<512xi32, #tpu.memory_space<vmem>>, vector<16xi32>,
    %get3A_220 = arith.constant 176 : index
    %get3A_221 = tpu.vector_load %arg8[%get3A_220] {strides = array<i32>} : memref<512xi32, #tpu.memory_space<vmem>>, vector<16xi32>,
    %get3A_222 = vector.shape_cast %get3A_221 : vector<16xi32> to vector<16xi32>
    %and3A_223 = arith.constant 262143 : i32
    %and3A_224 = vector.broadcast %and3A_223 : i32 to vector<16xi32>
    %and3A_225 = arith.andi %get3A_222, %and3A_224 : vector<16xi32>
    %swap3A_226 = arith.constant 176 : index
    %swap3A_227 = tpu.vector_load %arg8[%swap3A_226] {strides = array<i32>} : memref<512xi32, #tpu.memory_space<vmem>>, vector<16xi32>,
    %swap3A_228 = vector.shape_cast %swap3A_227 : vector<16xi32> to vector<16xi32>
    %swap3A_229 = vector.shape_cast %and3A_225 : vector<16xi32> to vector<16xi32>
    tpu.vector_store %arg8[%swap3A_226], %swap3A_229 {strides = array<i32>} : memref<512xi32, #tpu.memory_space<vmem>>, vector<16xi32>,
    %get3A_230 = arith.constant 176 : index
    %get3A_231 = tpu.vector_load %arg9[%get3A_230] {strides = array<i32>} : memref<512xi32, #tpu.memory_space<vmem>>, vector<16xi32>,
    %get3A_232 = vector.shape_cast %get3A_231 : vector<16xi32> to vector<16xi32>
    %and3A_233 = arith.constant 262143 : i32
    %and3A_234 = vector.broadcast %and3A_233 : i32 to vector<16xi32>
    %and3A_235 = arith.andi %get3A_232, %and3A_234 : vector<16xi32>
    %swap3A_236 = arith.constant 176 : index
    %swap3A_237 = tpu.vector_load %arg9[%swap3A_236] {strides = array<i32>} : memref<512xi32, #tpu.memory_space<vmem>>, vector<16xi32>,
    %swap3A_238 = vector.shape_cast %swap3A_237 : vector<16xi32> to vector<16xi32>
    %swap3A_239 = vector.shape_cast %and3A_235 : vector<16xi32> to vector<16xi32>
    tpu.vector_store %arg9[%swap3A_236], %swap3A_239 {strides = array<i32>} : memref<512xi32, #tpu.memory_space<vmem>>, vector<16xi32>,
    %get3A_240 = arith.constant 192 : index
    %get3A_241 = tpu.vector_load %arg8[%get3A_240] {strides = array<i32>} : memref<512xi32, #tpu.memory_space<vmem>>, vector<16xi32>,
    %get3A_242 = vector.shape_cast %get3A_241 : vector<16xi32> to vector<16xi32>
    %and3A_243 = arith.constant 262143 : i32
    %and3A_244 = vector.broadcast %and3A_243 : i32 to vector<16xi32>
    %and3A_245 = arith.andi %get3A_242, %and3A_244 : vector<16xi32>
    %swap3A_246 = arith.constant 192 : index
    %swap3A_247 = tpu.vector_load %arg8[%swap3A_246] {strides = array<i32>} : memref<512xi32, #tpu.memory_space<vmem>>, vector<16xi32>,
    %swap3A_248 = vector.shape_cast %swap3A_247 : vector<16xi32> to vector<16xi32>
    %swap3A_249 = vector.shape_cast %and3A_245 : vector<16xi32> to vector<16xi32>
    tpu.vector_store %arg8[%swap3A_246], %swap3A_249 {strides = array<i32>} : memref<512xi32, #tpu.memory_space<vmem>>, vector<16xi32>,
    %get3A_250 = arith.constant 192 : index
    %get3A_251 = tpu.vector_load %arg9[%get3A_250] {strides = array<i32>} : memref<512xi32, #tpu.memory_space<vmem>>, vector<16xi32>,
    %get3A_252 = vector.shape_cast %get3A_251 : vector<16xi32> to vector<16xi32>
    %and3A_253 = arith.constant 262143 : i32
    %and3A_254 = vector.broadcast %and3A_253 : i32 to vector<16xi32>
    %and3A_255 = arith.andi %get3A_252, %and3A_254 : vector<16xi32>
    %swap3A_256 = arith.constant 192 : index
    %swap3A_257 = tpu.vector_load %arg9[%swap3A_256] {strides = array<i32>} : memref<512xi32, #tpu.memory_space<vmem>>, vector<16xi32>,
    %swap3A_258 = vector.shape_cast %swap3A_257 : vector<16xi32> to vector<16xi32>
    %swap3A_259 = vector.shape_cast %and3A_255 : vector<16xi32> to vector<16xi32>
    tpu.vector_store %arg9[%swap3A_256], %swap3A_259 {strides = array<i32>} : memref<512xi32, #tpu.memory_space<vmem>>, vector<16xi32>,
    %get3A_260 = arith.constant 208 : index
    %get3A_261 = tpu.vector_load %arg8[%get3A_260] {strides = array<i32>} : memref<512xi32, #tpu.memory_space<vmem>>, vector<16xi32>,
    %get3A_262 = vector.shape_cast %get3A_261 : vector<16xi32> to vector<16xi32>
    %and3A_263 = arith.constant 262143 : i32
    %and3A_264 = vector.broadcast %and3A_263 : i32 to vector<16xi32>
    %and3A_265 = arith.andi %get3A_262, %and3A_264 : vector<16xi32>
    %swap3A_266 = arith.constant 208 : index
    %swap3A_267 = tpu.vector_load %arg8[%swap3A_266] {strides = array<i32>} : memref<512xi32, #tpu.memory_space<vmem>>, vector<16xi32>,
    %swap3A_268 = vector.shape_cast %swap3A_267 : vector<16xi32> to vector<16xi32>
    %swap3A_269 = vector.shape_cast %and3A_265 : vector<16xi32> to vector<16xi32>
    tpu.vector_store %arg8[%swap3A_266], %swap3A_269 {strides = array<i32>} : memref<512xi32, #tpu.memory_space<vmem>>, vector<16xi32>,
    %get3A_270 = arith.constant 208 : index
    %get3A_271 = tpu.vector_load %arg9[%get3A_270] {strides = array<i32>} : memref<512xi32, #tpu.memory_space<vmem>>, vector<16xi32>,
    %get3A_272 = vector.shape_cast %get3A_271 : vector<16xi32> to vector<16xi32>
    %and3A_273 = arith.constant 262143 : i32
    %and3A_274 = vector.broadcast %and3A_273 : i32 to vector<16xi32>
    %and3A_275 = arith.andi %get3A_272, %and3A_274 : vector<16xi32>
    %swap3A_276 = arith.constant 208 : index
    %swap3A_277 = tpu.vector_load %arg9[%swap3A_276] {strides = array<i32>} : memref<512xi32, #tpu.memory_space<vmem>>, vector<16xi32>,
    %swap3A_278 = vector.shape_cast %swap3A_277 : vector<16xi32> to vector<16xi32>
    %swap3A_279 = vector.shape_cast %and3A_275 : vector<16xi32> to vector<16xi32>
    tpu.vector_store %arg9[%swap3A_276], %swap3A_279 {strides = array<i32>} : memref<512xi32, #tpu.memory_space<vmem>>, vector<16xi32>,
    %get3A_280 = arith.constant 224 : index
    %get3A_281 = tpu.vector_load %arg8[%get3A_280] {strides = array<i32>} : memref<512xi32, #tpu.memory_space<vmem>>, vector<16xi32>,
    %get3A_282 = vector.shape_cast %get3A_281 : vector<16xi32> to vector<16xi32>
    %and3A_283 = arith.constant 262143 : i32
    %and3A_284 = vector.broadcast %and3A_283 : i32 to vector<16xi32>
    %and3A_285 = arith.andi %get3A_282, %and3A_284 : vector<16xi32>
    %swap3A_286 = arith.constant 224 : index
    %swap3A_287 = tpu.vector_load %arg8[%swap3A_286] {strides = array<i32>} : memref<512xi32, #tpu.memory_space<vmem>>, vector<16xi32>,
    %swap3A_288 = vector.shape_cast %swap3A_287 : vector<16xi32> to vector<16xi32>
    %swap3A_289 = vector.shape_cast %and3A_285 : vector<16xi32> to vector<16xi32>
    tpu.vector_store %arg8[%swap3A_286], %swap3A_289 {strides = array<i32>} : memref<512xi32, #tpu.memory_space<vmem>>, vector<16xi32>,
    %get3A_290 = arith.constant 224 : index
    %get3A_291 = tpu.vector_load %arg9[%get3A_290] {strides = array<i32>} : memref<512xi32, #tpu.memory_space<vmem>>, vector<16xi32>,
    %get3A_292 = vector.shape_cast %get3A_291 : vector<16xi32> to vector<16xi32>
    %and3A_293 = arith.constant 262143 : i32
    %and3A_294 = vector.broadcast %and3A_293 : i32 to vector<16xi32>
    %and3A_295 = arith.andi %get3A_292, %and3A_294 : vector<16xi32>
    %swap3A_296 = arith.constant 224 : index
    %swap3A_297 = tpu.vector_load %arg9[%swap3A_296] {strides = array<i32>} : memref<512xi32, #tpu.memory_space<vmem>>, vector<16xi32>,
    %swap3A_298 = vector.shape_cast %swap3A_297 : vector<16xi32> to vector<16xi32>
    %swap3A_299 = vector.shape_cast %and3A_295 : vector<16xi32> to vector<16xi32>
    tpu.vector_store %arg9[%swap3A_296], %swap3A_299 {strides = array<i32>} : memref<512xi32, #tpu.memory_space<vmem>>, vector<16xi32>,
    %get3A_300 = arith.constant 240 : index
    %get3A_301 = tpu.vector_load %arg8[%get3A_300] {strides = array<i32>} : memref<512xi32, #tpu.memory_space<vmem>>, vector<16xi32>,
    %get3A_302 = vector.shape_cast %get3A_301 : vector<16xi32> to vector<16xi32>
    %and3A_303 = arith.constant 262143 : i32
    %and3A_304 = vector.broadcast %and3A_303 : i32 to vector<16xi32>
    %and3A_305 = arith.andi %get3A_302, %and3A_304 : vector<16xi32>
    %swap3A_306 = arith.constant 240 : index
    %swap3A_307 = tpu.vector_load %arg8[%swap3A_306] {strides = array<i32>} : memref<512xi32, #tpu.memory_space<vmem>>, vector<16xi32>,
    %swap3A_308 = vector.shape_cast %swap3A_307 : vector<16xi32> to vector<16xi32>
    %swap3A_309 = vector.shape_cast %and3A_305 : vector<16xi32> to vector<16xi32>
    tpu.vector_store %arg8[%swap3A_306], %swap3A_309 {strides = array<i32>} : memref<512xi32, #tpu.memory_space<vmem>>, vector<16xi32>,
    %get3A_310 = arith.constant 240 : index
    %get3A_311 = tpu.vector_load %arg9[%get3A_310] {strides = array<i32>} : memref<512xi32, #tpu.memory_space<vmem>>, vector<16xi32>,
    %get3A_312 = vector.shape_cast %get3A_311 : vector<16xi32> to vector<16xi32>
    %and3A_313 = arith.constant 262143 : i32
    %and3A_314 = vector.broadcast %and3A_313 : i32 to vector<16xi32>
    %and3A_315 = arith.andi %get3A_312, %and3A_314 : vector<16xi32>
    %swap3A_316 = arith.constant 240 : index
    %swap3A_317 = tpu.vector_load %arg9[%swap3A_316] {strides = array<i32>} : memref<512xi32, #tpu.memory_space<vmem>>, vector<16xi32>,
    %swap3A_318 = vector.shape_cast %swap3A_317 : vector<16xi32> to vector<16xi32>
    %swap3A_319 = vector.shape_cast %and3A_315 : vector<16xi32> to vector<16xi32>
    tpu.vector_store %arg9[%swap3A_316], %swap3A_319 {strides = array<i32>} : memref<512xi32, #tpu.memory_space<vmem>>, vector<16xi32>,
    %get3A_320 = arith.constant 256 : index
    %get3A_321 = tpu.vector_load %arg8[%get3A_320] {strides = array<i32>} : memref<512xi32, #tpu.memory_space<vmem>>, vector<16xi32>,
    %get3A_322 = vector.shape_cast %get3A_321 : vector<16xi32> to vector<16xi32>
    %and3A_323 = arith.constant 262143 : i32
    %and3A_324 = vector.broadcast %and3A_323 : i32 to vector<16xi32>
    %and3A_325 = arith.andi %get3A_322, %and3A_324 : vector<16xi32>
    %swap3A_326 = arith.constant 256 : index
    %swap3A_327 = tpu.vector_load %arg8[%swap3A_326] {strides = array<i32>} : memref<512xi32, #tpu.memory_space<vmem>>, vector<16xi32>,
    %swap3A_328 = vector.shape_cast %swap3A_327 : vector<16xi32> to vector<16xi32>
    %swap3A_329 = vector.shape_cast %and3A_325 : vector<16xi32> to vector<16xi32>
    tpu.vector_store %arg8[%swap3A_326], %swap3A_329 {strides = array<i32>} : memref<512xi32, #tpu.memory_space<vmem>>, vector<16xi32>,
    %get3A_330 = arith.constant 256 : index
    %get3A_331 = tpu.vector_load %arg9[%get3A_330] {strides = array<i32>} : memref<512xi32, #tpu.memory_space<vmem>>, vector<16xi32>,
    %get3A_332 = vector.shape_cast %get3A_331 : vector<16xi32> to vector<16xi32>
    %and3A_333 = arith.constant 262143 : i32
    %and3A_334 = vector.broadcast %and3A_333 : i32 to vector<16xi32>
    %and3A_335 = arith.andi %get3A_332, %and3A_334 : vector<16xi32>
    %swap3A_336 = arith.constant 256 : index
    %swap3A_337 = tpu.vector_load %arg9[%swap3A_336] {strides = array<i32>} : memref<512xi32, #tpu.memory_space<vmem>>, vector<16xi32>,
    %swap3A_338 = vector.shape_cast %swap3A_337 : vector<16xi32> to vector<16xi32>
    %swap3A_339 = vector.shape_cast %and3A_335 : vector<16xi32> to vector<16xi32>
    tpu.vector_store %arg9[%swap3A_336], %swap3A_339 {strides = array<i32>} : memref<512xi32, #tpu.memory_space<vmem>>, vector<16xi32>,
    %get3A_340 = arith.constant 272 : index
    %get3A_341 = tpu.vector_load %arg8[%get3A_340] {strides = array<i32>} : memref<512xi32, #tpu.memory_space<vmem>>, vector<16xi32>,
    %get3A_342 = vector.shape_cast %get3A_341 : vector<16xi32> to vector<16xi32>
    %and3A_343 = arith.constant 262143 : i32
    %and3A_344 = vector.broadcast %and3A_343 : i32 to vector<16xi32>
    %and3A_345 = arith.andi %get3A_342, %and3A_344 : vector<16xi32>
    %swap3A_346 = arith.constant 272 : index
    %swap3A_347 = tpu.vector_load %arg8[%swap3A_346] {strides = array<i32>} : memref<512xi32, #tpu.memory_space<vmem>>, vector<16xi32>,
    %swap3A_348 = vector.shape_cast %swap3A_347 : vector<16xi32> to vector<16xi32>
    %swap3A_349 = vector.shape_cast %and3A_345 : vector<16xi32> to vector<16xi32>
    tpu.vector_store %arg8[%swap3A_346], %swap3A_349 {strides = array<i32>} : memref<512xi32, #tpu.memory_space<vmem>>, vector<16xi32>,
    %get3A_350 = arith.constant 272 : index
    %get3A_351 = tpu.vector_load %arg9[%get3A_350] {strides = array<i32>} : memref<512xi32, #tpu.memory_space<vmem>>, vector<16xi32>,
    %get3A_352 = vector.shape_cast %get3A_351 : vector<16xi32> to vector<16xi32>
    %and3A_353 = arith.constant 262143 : i32
    %and3A_354 = vector.broadcast %and3A_353 : i32 to vector<16xi32>
    %and3A_355 = arith.andi %get3A_352, %and3A_354 : vector<16xi32>
    %swap3A_356 = arith.constant 272 : index
    %swap3A_357 = tpu.vector_load %arg9[%swap3A_356] {strides = array<i32>} : memref<512xi32, #tpu.memory_space<vmem>>, vector<16xi32>,
    %swap3A_358 = vector.shape_cast %swap3A_357 : vector<16xi32> to vector<16xi32>
    %swap3A_359 = vector.shape_cast %and3A_355 : vector<16xi32> to vector<16xi32>
    tpu.vector_store %arg9[%swap3A_356], %swap3A_359 {strides = array<i32>} : memref<512xi32, #tpu.memory_space<vmem>>, vector<16xi32>,
    %get3A_360 = arith.constant 288 : index
    %get3A_361 = tpu.vector_load %arg8[%get3A_360] {strides = array<i32>} : memref<512xi32, #tpu.memory_space<vmem>>, vector<16xi32>,
    %get3A_362 = vector.shape_cast %get3A_361 : vector<16xi32> to vector<16xi32>
    %and3A_363 = arith.constant 262143 : i32
    %and3A_364 = vector.broadcast %and3A_363 : i32 to vector<16xi32>
    %and3A_365 = arith.andi %get3A_362, %and3A_364 : vector<16xi32>
    %swap3A_366 = arith.constant 288 : index
    %swap3A_367 = tpu.vector_load %arg8[%swap3A_366] {strides = array<i32>} : memref<512xi32, #tpu.memory_space<vmem>>, vector<16xi32>,
    %swap3A_368 = vector.shape_cast %swap3A_367 : vector<16xi32> to vector<16xi32>
    %swap3A_369 = vector.shape_cast %and3A_365 : vector<16xi32> to vector<16xi32>
    tpu.vector_store %arg8[%swap3A_366], %swap3A_369 {strides = array<i32>} : memref<512xi32, #tpu.memory_space<vmem>>, vector<16xi32>,
    %get3A_370 = arith.constant 288 : index
    %get3A_371 = tpu.vector_load %arg9[%get3A_370] {strides = array<i32>} : memref<512xi32, #tpu.memory_space<vmem>>, vector<16xi32>,
    %get3A_372 = vector.shape_cast %get3A_371 : vector<16xi32> to vector<16xi32>
    %and3A_373 = arith.constant 262143 : i32
    %and3A_374 = vector.broadcast %and3A_373 : i32 to vector<16xi32>
    %and3A_375 = arith.andi %get3A_372, %and3A_374 : vector<16xi32>
    %swap3A_376 = arith.constant 288 : index
    %swap3A_377 = tpu.vector_load %arg9[%swap3A_376] {strides = array<i32>} : memref<512xi32, #tpu.memory_space<vmem>>, vector<16xi32>,
    %swap3A_378 = vector.shape_cast %swap3A_377 : vector<16xi32> to vector<16xi32>
    %swap3A_379 = vector.shape_cast %and3A_375 : vector<16xi32> to vector<16xi32>
    tpu.vector_store %arg9[%swap3A_376], %swap3A_379 {strides = array<i32>} : memref<512xi32, #tpu.memory_space<vmem>>, vector<16xi32>,
    %get3A_380 = arith.constant 304 : index
    %get3A_381 = tpu.vector_load %arg8[%get3A_380] {strides = array<i32>} : memref<512xi32, #tpu.memory_space<vmem>>, vector<16xi32>,
    %get3A_382 = vector.shape_cast %get3A_381 : vector<16xi32> to vector<16xi32>
    %and3A_383 = arith.constant 262143 : i32
    %and3A_384 = vector.broadcast %and3A_383 : i32 to vector<16xi32>
    %and3A_385 = arith.andi %get3A_382, %and3A_384 : vector<16xi32>
    %swap3A_386 = arith.constant 304 : index
    %swap3A_387 = tpu.vector_load %arg8[%swap3A_386] {strides = array<i32>} : memref<512xi32, #tpu.memory_space<vmem>>, vector<16xi32>,
    %swap3A_388 = vector.shape_cast %swap3A_387 : vector<16xi32> to vector<16xi32>
    %swap3A_389 = vector.shape_cast %and3A_385 : vector<16xi32> to vector<16xi32>
    tpu.vector_store %arg8[%swap3A_386], %swap3A_389 {strides = array<i32>} : memref<512xi32, #tpu.memory_space<vmem>>, vector<16xi32>,
    %get3A_390 = arith.constant 304 : index
    %get3A_391 = tpu.vector_load %arg9[%get3A_390] {strides = array<i32>} : memref<512xi32, #tpu.memory_space<vmem>>, vector<16xi32>,
    %get3A_392 = vector.shape_cast %get3A_391 : vector<16xi32> to vector<16xi32>
    %and3A_393 = arith.constant 262143 : i32
    %and3A_394 = vector.broadcast %and3A_393 : i32 to vector<16xi32>
    %and3A_395 = arith.andi %get3A_392, %and3A_394 : vector<16xi32>
    %swap3A_396 = arith.constant 304 : index
    %swap3A_397 = tpu.vector_load %arg9[%swap3A_396] {strides = array<i32>} : memref<512xi32, #tpu.memory_space<vmem>>, vector<16xi32>,
    %swap3A_398 = vector.shape_cast %swap3A_397 : vector<16xi32> to vector<16xi32>
    %swap3A_399 = vector.shape_cast %and3A_395 : vector<16xi32> to vector<16xi32>
    tpu.vector_store %arg9[%swap3A_396], %swap3A_399 {strides = array<i32>} : memref<512xi32, #tpu.memory_space<vmem>>, vector<16xi32>,
    %get3A_400 = arith.constant 320 : index
    %get3A_401 = tpu.vector_load %arg8[%get3A_400] {strides = array<i32>} : memref<512xi32, #tpu.memory_space<vmem>>, vector<16xi32>,
    %get3A_402 = vector.shape_cast %get3A_401 : vector<16xi32> to vector<16xi32>
    %and3A_403 = arith.constant 262143 : i32
    %and3A_404 = vector.broadcast %and3A_403 : i32 to vector<16xi32>
    %and3A_405 = arith.andi %get3A_402, %and3A_404 : vector<16xi32>
    %swap3A_406 = arith.constant 320 : index
    %swap3A_407 = tpu.vector_load %arg8[%swap3A_406] {strides = array<i32>} : memref<512xi32, #tpu.memory_space<vmem>>, vector<16xi32>,
    %swap3A_408 = vector.shape_cast %swap3A_407 : vector<16xi32> to vector<16xi32>
    %swap3A_409 = vector.shape_cast %and3A_405 : vector<16xi32> to vector<16xi32>
    tpu.vector_store %arg8[%swap3A_406], %swap3A_409 {strides = array<i32>} : memref<512xi32, #tpu.memory_space<vmem>>, vector<16xi32>,
    %get3A_410 = arith.constant 320 : index
    %get3A_411 = tpu.vector_load %arg9[%get3A_410] {strides = array<i32>} : memref<512xi32, #tpu.memory_space<vmem>>, vector<16xi32>,
    %get3A_412 = vector.shape_cast %get3A_411 : vector<16xi32> to vector<16xi32>
    %and3A_413 = arith.constant 262143 : i32
    %and3A_414 = vector.broadcast %and3A_413 : i32 to vector<16xi32>
    %and3A_415 = arith.andi %get3A_412, %and3A_414 : vector<16xi32>
    %swap3A_416 = arith.constant 320 : index
    %swap3A_417 = tpu.vector_load %arg9[%swap3A_416] {strides = array<i32>} : memref<512xi32, #tpu.memory_space<vmem>>, vector<16xi32>,
    %swap3A_418 = vector.shape_cast %swap3A_417 : vector<16xi32> to vector<16xi32>
    %swap3A_419 = vector.shape_cast %and3A_415 : vector<16xi32> to vector<16xi32>
    tpu.vector_store %arg9[%swap3A_416], %swap3A_419 {strides = array<i32>} : memref<512xi32, #tpu.memory_space<vmem>>, vector<16xi32>,
    %get3A_420 = arith.constant 336 : index
    %get3A_421 = tpu.vector_load %arg8[%get3A_420] {strides = array<i32>} : memref<512xi32, #tpu.memory_space<vmem>>, vector<16xi32>,
    %get3A_422 = vector.shape_cast %get3A_421 : vector<16xi32> to vector<16xi32>
    %and3A_423 = arith.constant 262143 : i32
    %and3A_424 = vector.broadcast %and3A_423 : i32 to vector<16xi32>
    %and3A_425 = arith.andi %get3A_422, %and3A_424 : vector<16xi32>
    %swap3A_426 = arith.constant 336 : index
    %swap3A_427 = tpu.vector_load %arg8[%swap3A_426] {strides = array<i32>} : memref<512xi32, #tpu.memory_space<vmem>>, vector<16xi32>,
    %swap3A_428 = vector.shape_cast %swap3A_427 : vector<16xi32> to vector<16xi32>
    %swap3A_429 = vector.shape_cast %and3A_425 : vector<16xi32> to vector<16xi32>
    tpu.vector_store %arg8[%swap3A_426], %swap3A_429 {strides = array<i32>} : memref<512xi32, #tpu.memory_space<vmem>>, vector<16xi32>,
    %get3A_430 = arith.constant 336 : index
    %get3A_431 = tpu.vector_load %arg9[%get3A_430] {strides = array<i32>} : memref<512xi32, #tpu.memory_space<vmem>>, vector<16xi32>,
    %get3A_432 = vector.shape_cast %get3A_431 : vector<16xi32> to vector<16xi32>
    %and3A_433 = arith.constant 262143 : i32
    %and3A_434 = vector.broadcast %and3A_433 : i32 to vector<16xi32>
    %and3A_435 = arith.andi %get3A_432, %and3A_434 : vector<16xi32>
    %swap3A_436 = arith.constant 336 : index
    %swap3A_437 = tpu.vector_load %arg9[%swap3A_436] {strides = array<i32>} : memref<512xi32, #tpu.memory_space<vmem>>, vector<16xi32>,
    %swap3A_438 = vector.shape_cast %swap3A_437 : vector<16xi32> to vector<16xi32>
    %swap3A_439 = vector.shape_cast %and3A_435 : vector<16xi32> to vector<16xi32>
    tpu.vector_store %arg9[%swap3A_436], %swap3A_439 {strides = array<i32>} : memref<512xi32, #tpu.memory_space<vmem>>, vector<16xi32>,
    %get3A_440 = arith.constant 352 : index
    %get3A_441 = tpu.vector_load %arg8[%get3A_440] {strides = array<i32>} : memref<512xi32, #tpu.memory_space<vmem>>, vector<16xi32>,
    %get3A_442 = vector.shape_cast %get3A_441 : vector<16xi32> to vector<16xi32>
    %and3A_443 = arith.constant 262143 : i32
    %and3A_444 = vector.broadcast %and3A_443 : i32 to vector<16xi32>
    %and3A_445 = arith.andi %get3A_442, %and3A_444 : vector<16xi32>
    %swap3A_446 = arith.constant 352 : index
    %swap3A_447 = tpu.vector_load %arg8[%swap3A_446] {strides = array<i32>} : memref<512xi32, #tpu.memory_space<vmem>>, vector<16xi32>,
    %swap3A_448 = vector.shape_cast %swap3A_447 : vector<16xi32> to vector<16xi32>
    %swap3A_449 = vector.shape_cast %and3A_445 : vector<16xi32> to vector<16xi32>
    tpu.vector_store %arg8[%swap3A_446], %swap3A_449 {strides = array<i32>} : memref<512xi32, #tpu.memory_space<vmem>>, vector<16xi32>,
    %get3A_450 = arith.constant 352 : index
    %get3A_451 = tpu.vector_load %arg9[%get3A_450] {strides = array<i32>} : memref<512xi32, #tpu.memory_space<vmem>>, vector<16xi32>,
    %get3A_452 = vector.shape_cast %get3A_451 : vector<16xi32> to vector<16xi32>
    %and3A_453 = arith.constant 262143 : i32
    %and3A_454 = vector.broadcast %and3A_453 : i32 to vector<16xi32>
    %and3A_455 = arith.andi %get3A_452, %and3A_454 : vector<16xi32>
    %swap3A_456 = arith.constant 352 : index
    %swap3A_457 = tpu.vector_load %arg9[%swap3A_456] {strides = array<i32>} : memref<512xi32, #tpu.memory_space<vmem>>, vector<16xi32>,
    %swap3A_458 = vector.shape_cast %swap3A_457 : vector<16xi32> to vector<16xi32>
    %swap3A_459 = vector.shape_cast %and3A_455 : vector<16xi32> to vector<16xi32>
    tpu.vector_store %arg9[%swap3A_456], %swap3A_459 {strides = array<i32>} : memref<512xi32, #tpu.memory_space<vmem>>, vector<16xi32>,
    %get3A_460 = arith.constant 368 : index
    %get3A_461 = tpu.vector_load %arg8[%get3A_460] {strides = array<i32>} : memref<512xi32, #tpu.memory_space<vmem>>, vector<16xi32>,
    %get3A_462 = vector.shape_cast %get3A_461 : vector<16xi32> to vector<16xi32>
    %and3A_463 = arith.constant 262143 : i32
    %and3A_464 = vector.broadcast %and3A_463 : i32 to vector<16xi32>
    %and3A_465 = arith.andi %get3A_462, %and3A_464 : vector<16xi32>
    %swap3A_466 = arith.constant 368 : index
    %swap3A_467 = tpu.vector_load %arg8[%swap3A_466] {strides = array<i32>} : memref<512xi32, #tpu.memory_space<vmem>>, vector<16xi32>,
    %swap3A_468 = vector.shape_cast %swap3A_467 : vector<16xi32> to vector<16xi32>
    %swap3A_469 = vector.shape_cast %and3A_465 : vector<16xi32> to vector<16xi32>
    tpu.vector_store %arg8[%swap3A_466], %swap3A_469 {strides = array<i32>} : memref<512xi32, #tpu.memory_space<vmem>>, vector<16xi32>,
    %get3A_470 = arith.constant 368 : index
    %get3A_471 = tpu.vector_load %arg9[%get3A_470] {strides = array<i32>} : memref<512xi32, #tpu.memory_space<vmem>>, vector<16xi32>,
    %get3A_472 = vector.shape_cast %get3A_471 : vector<16xi32> to vector<16xi32>
    %and3A_473 = arith.constant 262143 : i32
    %and3A_474 = vector.broadcast %and3A_473 : i32 to vector<16xi32>
    %and3A_475 = arith.andi %get3A_472, %and3A_474 : vector<16xi32>
    %swap3A_476 = arith.constant 368 : index
    %swap3A_477 = tpu.vector_load %arg9[%swap3A_476] {strides = array<i32>} : memref<512xi32, #tpu.memory_space<vmem>>, vector<16xi32>,
    %swap3A_478 = vector.shape_cast %swap3A_477 : vector<16xi32> to vector<16xi32>
    %swap3A_479 = vector.shape_cast %and3A_475 : vector<16xi32> to vector<16xi32>
    tpu.vector_store %arg9[%swap3A_476], %swap3A_479 {strides = array<i32>} : memref<512xi32, #tpu.memory_space<vmem>>, vector<16xi32>,
    %get3A_480 = arith.constant 384 : index
    %get3A_481 = tpu.vector_load %arg8[%get3A_480] {strides = array<i32>} : memref<512xi32, #tpu.memory_space<vmem>>, vector<16xi32>,
    %get3A_482 = vector.shape_cast %get3A_481 : vector<16xi32> to vector<16xi32>
    %and3A_483 = arith.constant 262143 : i32
    %and3A_484 = vector.broadcast %and3A_483 : i32 to vector<16xi32>
    %and3A_485 = arith.andi %get3A_482, %and3A_484 : vector<16xi32>
    %swap3A_486 = arith.constant 384 : index
    %swap3A_487 = tpu.vector_load %arg8[%swap3A_486] {strides = array<i32>} : memref<512xi32, #tpu.memory_space<vmem>>, vector<16xi32>,
    %swap3A_488 = vector.shape_cast %swap3A_487 : vector<16xi32> to vector<16xi32>
    %swap3A_489 = vector.shape_cast %and3A_485 : vector<16xi32> to vector<16xi32>
    tpu.vector_store %arg8[%swap3A_486], %swap3A_489 {strides = array<i32>} : memref<512xi32, #tpu.memory_space<vmem>>, vector<16xi32>,
    %get3A_490 = arith.constant 384 : index
    %get3A_491 = tpu.vector_load %arg9[%get3A_490] {strides = array<i32>} : memref<512xi32, #tpu.memory_space<vmem>>, vector<16xi32>,
    %get3A_492 = vector.shape_cast %get3A_491 : vector<16xi32> to vector<16xi32>
    %and3A_493 = arith.constant 262143 : i32
    %and3A_494 = vector.broadcast %and3A_493 : i32 to vector<16xi32>
    %and3A_495 = arith.andi %get3A_492, %and3A_494 : vector<16xi32>
    %swap3A_496 = arith.constant 384 : index
    %swap3A_497 = tpu.vector_load %arg9[%swap3A_496] {strides = array<i32>} : memref<512xi32, #tpu.memory_space<vmem>>, vector<16xi32>,
    %swap3A_498 = vector.shape_cast %swap3A_497 : vector<16xi32> to vector<16xi32>
    %swap3A_499 = vector.shape_cast %and3A_495 : vector<16xi32> to vector<16xi32>
    tpu.vector_store %arg9[%swap3A_496], %swap3A_499 {strides = array<i32>} : memref<512xi32, #tpu.memory_space<vmem>>, vector<16xi32>,
    %get3A_500 = arith.constant 400 : index
    %get3A_501 = tpu.vector_load %arg8[%get3A_500] {strides = array<i32>} : memref<512xi32, #tpu.memory_space<vmem>>, vector<16xi32>,
    %get3A_502 = vector.shape_cast %get3A_501 : vector<16xi32> to vector<16xi32>
    %and3A_503 = arith.constant 262143 : i32
    %and3A_504 = vector.broadcast %and3A_503 : i32 to vector<16xi32>
    %and3A_505 = arith.andi %get3A_502, %and3A_504 : vector<16xi32>
    %swap3A_506 = arith.constant 400 : index
    %swap3A_507 = tpu.vector_load %arg8[%swap3A_506] {strides = array<i32>} : memref<512xi32, #tpu.memory_space<vmem>>, vector<16xi32>,
    %swap3A_508 = vector.shape_cast %swap3A_507 : vector<16xi32> to vector<16xi32>
    %swap3A_509 = vector.shape_cast %and3A_505 : vector<16xi32> to vector<16xi32>
    tpu.vector_store %arg8[%swap3A_506], %swap3A_509 {strides = array<i32>} : memref<512xi32, #tpu.memory_space<vmem>>, vector<16xi32>,
    %get3A_510 = arith.constant 400 : index
    %get3A_511 = tpu.vector_load %arg9[%get3A_510] {strides = array<i32>} : memref<512xi32, #tpu.memory_space<vmem>>, vector<16xi32>,
    %get3A_512 = vector.shape_cast %get3A_511 : vector<16xi32> to vector<16xi32>
    %and3A_513 = arith.constant 262143 : i32
    %and3A_514 = vector.broadcast %and3A_513 : i32 to vector<16xi32>
    %and3A_515 = arith.andi %get3A_512, %and3A_514 : vector<16xi32>
    %swap3A_516 = arith.constant 400 : index
    %swap3A_517 = tpu.vector_load %arg9[%swap3A_516] {strides = array<i32>} : memref<512xi32, #tpu.memory_space<vmem>>, vector<16xi32>,
    %swap3A_518 = vector.shape_cast %swap3A_517 : vector<16xi32> to vector<16xi32>
    %swap3A_519 = vector.shape_cast %and3A_515 : vector<16xi32> to vector<16xi32>
    tpu.vector_store %arg9[%swap3A_516], %swap3A_519 {strides = array<i32>} : memref<512xi32, #tpu.memory_space<vmem>>, vector<16xi32>,
    %get3A_520 = arith.constant 416 : index
    %get3A_521 = tpu.vector_load %arg8[%get3A_520] {strides = array<i32>} : memref<512xi32, #tpu.memory_space<vmem>>, vector<16xi32>,
    %get3A_522 = vector.shape_cast %get3A_521 : vector<16xi32> to vector<16xi32>
    %and3A_523 = arith.constant 262143 : i32
    %and3A_524 = vector.broadcast %and3A_523 : i32 to vector<16xi32>
    %and3A_525 = arith.andi %get3A_522, %and3A_524 : vector<16xi32>
    %swap3A_526 = arith.constant 416 : index
    %swap3A_527 = tpu.vector_load %arg8[%swap3A_526] {strides = array<i32>} : memref<512xi32, #tpu.memory_space<vmem>>, vector<16xi32>,
    %swap3A_528 = vector.shape_cast %swap3A_527 : vector<16xi32> to vector<16xi32>
    %swap3A_529 = vector.shape_cast %and3A_525 : vector<16xi32> to vector<16xi32>
    tpu.vector_store %arg8[%swap3A_526], %swap3A_529 {strides = array<i32>} : memref<512xi32, #tpu.memory_space<vmem>>, vector<16xi32>,
    %get3A_530 = arith.constant 416 : index
    %get3A_531 = tpu.vector_load %arg9[%get3A_530] {strides = array<i32>} : memref<512xi32, #tpu.memory_space<vmem>>, vector<16xi32>,
    %get3A_532 = vector.shape_cast %get3A_531 : vector<16xi32> to vector<16xi32>
    %and3A_533 = arith.constant 262143 : i32
    %and3A_534 = vector.broadcast %and3A_533 : i32 to vector<16xi32>
    %and3A_535 = arith.andi %get3A_532, %and3A_534 : vector<16xi32>
    %swap3A_536 = arith.constant 416 : index
    %swap3A_537 = tpu.vector_load %arg9[%swap3A_536] {strides = array<i32>} : memref<512xi32, #tpu.memory_space<vmem>>, vector<16xi32>,
    %swap3A_538 = vector.shape_cast %swap3A_537 : vector<16xi32> to vector<16xi32>
    %swap3A_539 = vector.shape_cast %and3A_535 : vector<16xi32> to vector<16xi32>
    tpu.vector_store %arg9[%swap3A_536], %swap3A_539 {strides = array<i32>} : memref<512xi32, #tpu.memory_space<vmem>>, vector<16xi32>,
    %get3A_540 = arith.constant 432 : index
    %get3A_541 = tpu.vector_load %arg8[%get3A_540] {strides = array<i32>} : memref<512xi32, #tpu.memory_space<vmem>>, vector<16xi32>,
    %get3A_542 = vector.shape_cast %get3A_541 : vector<16xi32> to vector<16xi32>
    %and3A_543 = arith.constant 262143 : i32
    %and3A_544 = vector.broadcast %and3A_543 : i32 to vector<16xi32>
    %and3A_545 = arith.andi %get3A_542, %and3A_544 : vector<16xi32>
    %swap3A_546 = arith.constant 432 : index
    %swap3A_547 = tpu.vector_load %arg8[%swap3A_546] {strides = array<i32>} : memref<512xi32, #tpu.memory_space<vmem>>, vector<16xi32>,
    %swap3A_548 = vector.shape_cast %swap3A_547 : vector<16xi32> to vector<16xi32>
    %swap3A_549 = vector.shape_cast %and3A_545 : vector<16xi32> to vector<16xi32>
    tpu.vector_store %arg8[%swap3A_546], %swap3A_549 {strides = array<i32>} : memref<512xi32, #tpu.memory_space<vmem>>, vector<16xi32>,
    %get3A_550 = arith.constant 432 : index
    %get3A_551 = tpu.vector_load %arg9[%get3A_550] {strides = array<i32>} : memref<512xi32, #tpu.memory_space<vmem>>, vector<16xi32>,
    %get3A_552 = vector.shape_cast %get3A_551 : vector<16xi32> to vector<16xi32>
    %and3A_553 = arith.constant 262143 : i32
    %and3A_554 = vector.broadcast %and3A_553 : i32 to vector<16xi32>
    %and3A_555 = arith.andi %get3A_552, %and3A_554 : vector<16xi32>
    %swap3A_556 = arith.constant 432 : index
    %swap3A_557 = tpu.vector_load %arg9[%swap3A_556] {strides = array<i32>} : memref<512xi32, #tpu.memory_space<vmem>>, vector<16xi32>,
    %swap3A_558 = vector.shape_cast %swap3A_557 : vector<16xi32> to vector<16xi32>
    %swap3A_559 = vector.shape_cast %and3A_555 : vector<16xi32> to vector<16xi32>
    tpu.vector_store %arg9[%swap3A_556], %swap3A_559 {strides = array<i32>} : memref<512xi32, #tpu.memory_space<vmem>>, vector<16xi32>,
    %get3A_560 = arith.constant 448 : index
    %get3A_561 = tpu.vector_load %arg8[%get3A_560] {strides = array<i32>} : memref<512xi32, #tpu.memory_space<vmem>>, vector<16xi32>,
    %get3A_562 = vector.shape_cast %get3A_561 : vector<16xi32> to vector<16xi32>
    %and3A_563 = arith.constant 262143 : i32
    %and3A_564 = vector.broadcast %and3A_563 : i32 to vector<16xi32>
    %and3A_565 = arith.andi %get3A_562, %and3A_564 : vector<16xi32>
    %swap3A_566 = arith.constant 448 : index
    %swap3A_567 = tpu.vector_load %arg8[%swap3A_566] {strides = array<i32>} : memref<512xi32, #tpu.memory_space<vmem>>, vector<16xi32>,
    %swap3A_568 = vector.shape_cast %swap3A_567 : vector<16xi32> to vector<16xi32>
    %swap3A_569 = vector.shape_cast %and3A_565 : vector<16xi32> to vector<16xi32>
    tpu.vector_store %arg8[%swap3A_566], %swap3A_569 {strides = array<i32>} : memref<512xi32, #tpu.memory_space<vmem>>, vector<16xi32>,
    %get3A_570 = arith.constant 448 : index
    %get3A_571 = tpu.vector_load %arg9[%get3A_570] {strides = array<i32>} : memref<512xi32, #tpu.memory_space<vmem>>, vector<16xi32>,
    %get3A_572 = vector.shape_cast %get3A_571 : vector<16xi32> to vector<16xi32>
    %and3A_573 = arith.constant 262143 : i32
    %and3A_574 = vector.broadcast %and3A_573 : i32 to vector<16xi32>
    %and3A_575 = arith.andi %get3A_572, %and3A_574 : vector<16xi32>
    %swap3A_576 = arith.constant 448 : index
    %swap3A_577 = tpu.vector_load %arg9[%swap3A_576] {strides = array<i32>} : memref<512xi32, #tpu.memory_space<vmem>>, vector<16xi32>,
    %swap3A_578 = vector.shape_cast %swap3A_577 : vector<16xi32> to vector<16xi32>
    %swap3A_579 = vector.shape_cast %and3A_575 : vector<16xi32> to vector<16xi32>
    tpu.vector_store %arg9[%swap3A_576], %swap3A_579 {strides = array<i32>} : memref<512xi32, #tpu.memory_space<vmem>>, vector<16xi32>,
    %get3A_580 = arith.constant 464 : index
    %get3A_581 = tpu.vector_load %arg8[%get3A_580] {strides = array<i32>} : memref<512xi32, #tpu.memory_space<vmem>>, vector<16xi32>,
    %get3A_582 = vector.shape_cast %get3A_581 : vector<16xi32> to vector<16xi32>
    %and3A_583 = arith.constant 262143 : i32
    %and3A_584 = vector.broadcast %and3A_583 : i32 to vector<16xi32>
    %and3A_585 = arith.andi %get3A_582, %and3A_584 : vector<16xi32>
    %swap3A_586 = arith.constant 464 : index
    %swap3A_587 = tpu.vector_load %arg8[%swap3A_586] {strides = array<i32>} : memref<512xi32, #tpu.memory_space<vmem>>, vector<16xi32>,
    %swap3A_588 = vector.shape_cast %swap3A_587 : vector<16xi32> to vector<16xi32>
    %swap3A_589 = vector.shape_cast %and3A_585 : vector<16xi32> to vector<16xi32>
    tpu.vector_store %arg8[%swap3A_586], %swap3A_589 {strides = array<i32>} : memref<512xi32, #tpu.memory_space<vmem>>, vector<16xi32>,
    %get3A_590 = arith.constant 464 : index
    %get3A_591 = tpu.vector_load %arg9[%get3A_590] {strides = array<i32>} : memref<512xi32, #tpu.memory_space<vmem>>, vector<16xi32>,
    %get3A_592 = vector.shape_cast %get3A_591 : vector<16xi32> to vector<16xi32>
    %and3A_593 = arith.constant 262143 : i32
    %and3A_594 = vector.broadcast %and3A_593 : i32 to vector<16xi32>
    %and3A_595 = arith.andi %get3A_592, %and3A_594 : vector<16xi32>
    %swap3A_596 = arith.constant 464 : index
    %swap3A_597 = tpu.vector_load %arg9[%swap3A_596] {strides = array<i32>} : memref<512xi32, #tpu.memory_space<vmem>>, vector<16xi32>,
    %swap3A_598 = vector.shape_cast %swap3A_597 : vector<16xi32> to vector<16xi32>
    %swap3A_599 = vector.shape_cast %and3A_595 : vector<16xi32> to vector<16xi32>
    tpu.vector_store %arg9[%swap3A_596], %swap3A_599 {strides = array<i32>} : memref<512xi32, #tpu.memory_space<vmem>>, vector<16xi32>,
    %get3A_600 = arith.constant 480 : index
    %get3A_601 = tpu.vector_load %arg8[%get3A_600] {strides = array<i32>} : memref<512xi32, #tpu.memory_space<vmem>>, vector<16xi32>,
    %get3A_602 = vector.shape_cast %get3A_601 : vector<16xi32> to vector<16xi32>
    %and3A_603 = arith.constant 262143 : i32
    %and3A_604 = vector.broadcast %and3A_603 : i32 to vector<16xi32>
    %and3A_605 = arith.andi %get3A_602, %and3A_604 : vector<16xi32>
    %swap3A_606 = arith.constant 480 : index
    %swap3A_607 = tpu.vector_load %arg8[%swap3A_606] {strides = array<i32>} : memref<512xi32, #tpu.memory_space<vmem>>, vector<16xi32>,
    %swap3A_608 = vector.shape_cast %swap3A_607 : vector<16xi32> to vector<16xi32>
    %swap3A_609 = vector.shape_cast %and3A_605 : vector<16xi32> to vector<16xi32>
    tpu.vector_store %arg8[%swap3A_606], %swap3A_609 {strides = array<i32>} : memref<512xi32, #tpu.memory_space<vmem>>, vector<16xi32>,
    %get3A_610 = arith.constant 480 : index
    %get3A_611 = tpu.vector_load %arg9[%get3A_610] {strides = array<i32>} : memref<512xi32, #tpu.memory_space<vmem>>, vector<16xi32>,
    %get3A_612 = vector.shape_cast %get3A_611 : vector<16xi32> to vector<16xi32>
    %and3A_613 = arith.constant 262143 : i32
    %and3A_614 = vector.broadcast %and3A_613 : i32 to vector<16xi32>
    %and3A_615 = arith.andi %get3A_612, %and3A_614 : vector<16xi32>
    %swap3A_616 = arith.constant 480 : index
    %swap3A_617 = tpu.vector_load %arg9[%swap3A_616] {strides = array<i32>} : memref<512xi32, #tpu.memory_space<vmem>>, vector<16xi32>,
    %swap3A_618 = vector.shape_cast %swap3A_617 : vector<16xi32> to vector<16xi32>
    %swap3A_619 = vector.shape_cast %and3A_615 : vector<16xi32> to vector<16xi32>
    tpu.vector_store %arg9[%swap3A_616], %swap3A_619 {strides = array<i32>} : memref<512xi32, #tpu.memory_space<vmem>>, vector<16xi32>,
    %get3A_620 = arith.constant 496 : index
    %get3A_621 = tpu.vector_load %arg8[%get3A_620] {strides = array<i32>} : memref<512xi32, #tpu.memory_space<vmem>>, vector<16xi32>,
    %get3A_622 = vector.shape_cast %get3A_621 : vector<16xi32> to vector<16xi32>
    %and3A_623 = arith.constant 262143 : i32
    %and3A_624 = vector.broadcast %and3A_623 : i32 to vector<16xi32>
    %and3A_625 = arith.andi %get3A_622, %and3A_624 : vector<16xi32>
    %swap3A_626 = arith.constant 496 : index
    %swap3A_627 = tpu.vector_load %arg8[%swap3A_626] {strides = array<i32>} : memref<512xi32, #tpu.memory_space<vmem>>, vector<16xi32>,
    %swap3A_628 = vector.shape_cast %swap3A_627 : vector<16xi32> to vector<16xi32>
    %swap3A_629 = vector.shape_cast %and3A_625 : vector<16xi32> to vector<16xi32>
    tpu.vector_store %arg8[%swap3A_626], %swap3A_629 {strides = array<i32>} : memref<512xi32, #tpu.memory_space<vmem>>, vector<16xi32>,
    %get3A_630 = arith.constant 496 : index
    %get3A_631 = tpu.vector_load %arg9[%get3A_630] {strides = array<i32>} : memref<512xi32, #tpu.memory_space<vmem>>, vector<16xi32>,
    %get3A_632 = vector.shape_cast %get3A_631 : vector<16xi32> to vector<16xi32>
    %and3A_633 = arith.constant 262143 : i32
    %and3A_634 = vector.broadcast %and3A_633 : i32 to vector<16xi32>
    %and3A_635 = arith.andi %get3A_632, %and3A_634 : vector<16xi32>
    %swap3A_636 = arith.constant 496 : index
    %swap3A_637 = tpu.vector_load %arg9[%swap3A_636] {strides = array<i32>} : memref<512xi32, #tpu.memory_space<vmem>>, vector<16xi32>,
    %swap3A_638 = vector.shape_cast %swap3A_637 : vector<16xi32> to vector<16xi32>
    %swap3A_639 = vector.shape_cast %and3A_635 : vector<16xi32> to vector<16xi32>
    tpu.vector_store %arg9[%swap3A_636], %swap3A_639 {strides = array<i32>} : memref<512xi32, #tpu.memory_space<vmem>>, vector<16xi32>,
    %dma_start3A = arith.constant 0 : i32
    %dma_start3A_640 = arith.constant 0 : i32
    %dma_start3A_641 = tpu.memref_slice %arg10[%dma_start3A, %dma_start3A_640] : memref<256x128xf32, #tpu.memory_space<vmem>> -> memref<128x128xf32, #tpu.memory_space<vmem>>
    %dma_start3A_642 = arith.constant 0 : i32
    %dma_start3A_643 = tpu.memref_slice %arg8[%dma_start3A_642] : memref<512xi32, #tpu.memory_space<vmem>> -> memref<128xi32, #tpu.memory_space<vmem>>
    %dma_start3A_644 = arith.constant 0 : i32
    %dma_start3A_645 = arith.constant 0 : i32
    %dma_start3A_646 = tpu.memref_slice %arg4[%dma_start3A_644, %dma_start3A_645] : memref<262144x128xf32, #tpu.memory_space<hbm>> -> memref<262144x128xf32, #tpu.memory_space<hbm>>
    tpu.enqueue_indirect_dma source(%dma_start3A_646 : memref<262144x128xf32, #tpu.memory_space<hbm>>) target(%dma_start3A_641 : memref<128x128xf32, #tpu.memory_space<vmem>>) offsets(%dma_start3A_643 : memref<128xi32, #tpu.memory_space<vmem>>) semaphore(%arg12 : memref<!tpu.dma_semaphore, #tpu.memory_space<semaphore_mem>>)
    %dma_start3A_647 = arith.constant 0 : i32
    %dma_start3A_648 = arith.constant 0 : i32
    %dma_start3A_649 = tpu.memref_slice %arg11[%dma_start3A_647, %dma_start3A_648] : memref<256x128xf32, #tpu.memory_space<vmem>> -> memref<128x128xf32, #tpu.memory_space<vmem>>
    %dma_start3A_650 = arith.constant 0 : i32
    %dma_start3A_651 = tpu.memref_slice %arg9[%dma_start3A_650] : memref<512xi32, #tpu.memory_space<vmem>> -> memref<128xi32, #tpu.memory_space<vmem>>
    %dma_start3A_652 = arith.constant 0 : i32
    %dma_start3A_653 = arith.constant 0 : i32
    %dma_start3A_654 = tpu.memref_slice %arg5[%dma_start3A_652, %dma_start3A_653] : memref<262144x128xf32, #tpu.memory_space<hbm>> -> memref<262144x128xf32, #tpu.memory_space<hbm>>
    tpu.enqueue_indirect_dma source(%dma_start3A_654 : memref<262144x128xf32, #tpu.memory_space<hbm>>) target(%dma_start3A_649 : memref<128x128xf32, #tpu.memory_space<vmem>>) offsets(%dma_start3A_651 : memref<128xi32, #tpu.memory_space<vmem>>) semaphore(%arg12 : memref<!tpu.dma_semaphore, #tpu.memory_space<semaphore_mem>>)
    %dma_start3A_655 = arith.constant 128 : i32
    %dma_start3A_656 = arith.constant 0 : i32
    %dma_start3A_657 = tpu.memref_slice %arg10[%dma_start3A_655, %dma_start3A_656] : memref<256x128xf32, #tpu.memory_space<vmem>> -> memref<128x128xf32, #tpu.memory_space<vmem>>
    %dma_start3A_658 = arith.constant 128 : i32
    %dma_start3A_659 = tpu.memref_slice %arg8[%dma_start3A_658] : memref<512xi32, #tpu.memory_space<vmem>> -> memref<128xi32, #tpu.memory_space<vmem>>
    %dma_start3A_660 = arith.constant 0 : i32
    %dma_start3A_661 = arith.constant 0 : i32
    %dma_start3A_662 = tpu.memref_slice %arg4[%dma_start3A_660, %dma_start3A_661] : memref<262144x128xf32, #tpu.memory_space<hbm>> -> memref<262144x128xf32, #tpu.memory_space<hbm>>
    tpu.enqueue_indirect_dma source(%dma_start3A_662 : memref<262144x128xf32, #tpu.memory_space<hbm>>) target(%dma_start3A_657 : memref<128x128xf32, #tpu.memory_space<vmem>>) offsets(%dma_start3A_659 : memref<128xi32, #tpu.memory_space<vmem>>) semaphore(%arg12 : memref<!tpu.dma_semaphore, #tpu.memory_space<semaphore_mem>>)
    %dma_start3A_663 = arith.constant 128 : i32
    %dma_start3A_664 = arith.constant 0 : i32
    %dma_start3A_665 = tpu.memref_slice %arg11[%dma_start3A_663, %dma_start3A_664] : memref<256x128xf32, #tpu.memory_space<vmem>> -> memref<128x128xf32, #tpu.memory_space<vmem>>
    %dma_start3A_666 = arith.constant 128 : i32
    %dma_start3A_667 = tpu.memref_slice %arg9[%dma_start3A_666] : memref<512xi32, #tpu.memory_space<vmem>> -> memref<128xi32, #tpu.memory_space<vmem>>
    %dma_start3A_668 = arith.constant 0 : i32
    %dma_start3A_669 = arith.constant 0 : i32
    %dma_start3A_670 = tpu.memref_slice %arg5[%dma_start3A_668, %dma_start3A_669] : memref<262144x128xf32, #tpu.memory_space<hbm>> -> memref<262144x128xf32, #tpu.memory_space<hbm>>
    tpu.enqueue_indirect_dma source(%dma_start3A_670 : memref<262144x128xf32, #tpu.memory_space<hbm>>) target(%dma_start3A_665 : memref<128x128xf32, #tpu.memory_space<vmem>>) offsets(%dma_start3A_667 : memref<128xi32, #tpu.memory_space<vmem>>) semaphore(%arg12 : memref<!tpu.dma_semaphore, #tpu.memory_space<semaphore_mem>>)
    %add3A_671 = arith.constant 0 : i32
    %add3A_672 = arith.addi %mul3A_2, %add3A_671 : i32
    %dma_wait3A = arith.constant 0 : i32
    %dma_wait3A_673 = tpu.memref_slice %arg6[%add3A_672, %dma_wait3A] : memref<16384x128xf32, #tpu.memory_space<hbm>> -> memref<256x128xf32, #tpu.memory_space<hbm>>
    %dma_wait3A_674 = arith.constant 0 : i32
    %dma_wait3A_675 = tpu.memref_slice %arg6[%add3A_672, %dma_wait3A_674] : memref<16384x128xf32, #tpu.memory_space<hbm>> -> memref<256x128xf32, #tpu.memory_space<hbm>>
    tpu.wait_dma2 semaphore(%arg12 : memref<!tpu.dma_semaphore, #tpu.memory_space<semaphore_mem>>) src(%dma_wait3A_675 : memref<256x128xf32, #tpu.memory_space<hbm>>) dst(%arg10 : memref<256x128xf32, #tpu.memory_space<vmem>>)
    %add3A_676 = arith.constant 0 : i32
    %add3A_677 = arith.addi %mul3A_2, %add3A_676 : i32
    %dma_wait3A_678 = arith.constant 0 : i32
    %dma_wait3A_679 = tpu.memref_slice %arg7[%add3A_677, %dma_wait3A_678] : memref<16384x128xf32, #tpu.memory_space<hbm>> -> memref<256x128xf32, #tpu.memory_space<hbm>>
    %dma_wait3A_680 = arith.constant 0 : i32
    %dma_wait3A_681 = tpu.memref_slice %arg7[%add3A_677, %dma_wait3A_680] : memref<16384x128xf32, #tpu.memory_space<hbm>> -> memref<256x128xf32, #tpu.memory_space<hbm>>
    tpu.wait_dma2 semaphore(%arg12 : memref<!tpu.dma_semaphore, #tpu.memory_space<semaphore_mem>>) src(%dma_wait3A_681 : memref<256x128xf32, #tpu.memory_space<hbm>>) dst(%arg11 : memref<256x128xf32, #tpu.memory_space<vmem>>)
    %add3A_682 = arith.constant 0 : i32
    %add3A_683 = arith.addi %mul3A_2, %add3A_682 : i32
    "tpu.region"() ({
      %run_scoped3A = tpu.sem_alloc : memref<!tpu.dma_semaphore, #tpu.memory_space<semaphore_mem>>
      %dma_start3A_734 = arith.constant 0 : i32
      %dma_start3A_735 = tpu.memref_slice %arg6[%add3A_683, %dma_start3A_734] : memref<16384x128xf32, #tpu.memory_space<hbm>> -> memref<256x128xf32, #tpu.memory_space<hbm>>
      %dma_start3A_736 = arith.constant 0 : i32
      %dma_start3A_737 = tpu.memref_slice %arg6[%add3A_683, %dma_start3A_736] : memref<16384x128xf32, #tpu.memory_space<hbm>> -> memref<256x128xf32, #tpu.memory_space<hbm>>
      tpu.enqueue_dma source(%arg10 : memref<256x128xf32, #tpu.memory_space<vmem>>) target(%dma_start3A_737 : memref<256x128xf32, #tpu.memory_space<hbm>>) target_semaphore(%run_scoped3A : memref<!tpu.dma_semaphore, #tpu.memory_space<semaphore_mem>>)
      %dma_wait3A_738 = arith.constant 0 : i32
      %dma_wait3A_739 = tpu.memref_slice %arg6[%add3A_683, %dma_wait3A_738] : memref<16384x128xf32, #tpu.memory_space<hbm>> -> memref<256x128xf32, #tpu.memory_space<hbm>>
      %dma_wait3A_740 = arith.constant 0 : i32
      %dma_wait3A_741 = tpu.memref_slice %arg6[%add3A_683, %dma_wait3A_740] : memref<16384x128xf32, #tpu.memory_space<hbm>> -> memref<256x128xf32, #tpu.memory_space<hbm>>
      tpu.wait_dma2 semaphore(%run_scoped3A : memref<!tpu.dma_semaphore, #tpu.memory_space<semaphore_mem>>) src(%arg10 : memref<256x128xf32, #tpu.memory_space<vmem>>) dst(%dma_wait3A_741 : memref<256x128xf32, #tpu.memory_space<hbm>>)
      tpu.yield
    }) : () -> ()
    %add3A_684 = arith.constant 0 : i32
    %add3A_685 = arith.addi %mul3A_2, %add3A_684 : i32
    "tpu.region"() ({
      %run_scoped3A = tpu.sem_alloc : memref<!tpu.dma_semaphore, #tpu.memory_space<semaphore_mem>>
      %dma_start3A_734 = arith.constant 0 : i32
      %dma_start3A_735 = tpu.memref_slice %arg7[%add3A_685, %dma_start3A_734] : memref<16384x128xf32, #tpu.memory_space<hbm>> -> memref<256x128xf32, #tpu.memory_space<hbm>>
      %dma_start3A_736 = arith.constant 0 : i32
      %dma_start3A_737 = tpu.memref_slice %arg7[%add3A_685, %dma_start3A_736] : memref<16384x128xf32, #tpu.memory_space<hbm>> -> memref<256x128xf32, #tpu.memory_space<hbm>>
      tpu.enqueue_dma source(%arg11 : memref<256x128xf32, #tpu.memory_space<vmem>>) target(%dma_start3A_737 : memref<256x128xf32, #tpu.memory_space<hbm>>) target_semaphore(%run_scoped3A : memref<!tpu.dma_semaphore, #tpu.memory_space<semaphore_mem>>)
      %dma_wait3A_738 = arith.constant 0 : i32
      %dma_wait3A_739 = tpu.memref_slice %arg7[%add3A_685, %dma_wait3A_738] : memref<16384x128xf32, #tpu.memory_space<hbm>> -> memref<256x128xf32, #tpu.memory_space<hbm>>
      %dma_wait3A_740 = arith.constant 0 : i32
      %dma_wait3A_741 = tpu.memref_slice %arg7[%add3A_685, %dma_wait3A_740] : memref<16384x128xf32, #tpu.memory_space<hbm>> -> memref<256x128xf32, #tpu.memory_space<hbm>>
      tpu.wait_dma2 semaphore(%run_scoped3A : memref<!tpu.dma_semaphore, #tpu.memory_space<semaphore_mem>>) src(%arg11 : memref<256x128xf32, #tpu.memory_space<vmem>>) dst(%dma_wait3A_741 : memref<256x128xf32, #tpu.memory_space<hbm>>)
      tpu.yield
    }) : () -> ()
    %dma_start3A_686 = arith.constant 0 : i32
    %dma_start3A_687 = arith.constant 0 : i32
    %dma_start3A_688 = tpu.memref_slice %arg10[%dma_start3A_686, %dma_start3A_687] : memref<256x128xf32, #tpu.memory_space<vmem>> -> memref<128x128xf32, #tpu.memory_space<vmem>>
    %dma_start3A_689 = arith.constant 256 : i32
    %dma_start3A_690 = tpu.memref_slice %arg8[%dma_start3A_689] : memref<512xi32, #tpu.memory_space<vmem>> -> memref<128xi32, #tpu.memory_space<vmem>>
    %dma_start3A_691 = arith.constant 0 : i32
    %dma_start3A_692 = arith.constant 0 : i32
    %dma_start3A_693 = tpu.memref_slice %arg4[%dma_start3A_691, %dma_start3A_692] : memref<262144x128xf32, #tpu.memory_space<hbm>> -> memref<262144x128xf32, #tpu.memory_space<hbm>>
    tpu.enqueue_indirect_dma source(%dma_start3A_693 : memref<262144x128xf32, #tpu.memory_space<hbm>>) target(%dma_start3A_688 : memref<128x128xf32, #tpu.memory_space<vmem>>) offsets(%dma_start3A_690 : memref<128xi32, #tpu.memory_space<vmem>>) semaphore(%arg12 : memref<!tpu.dma_semaphore, #tpu.memory_space<semaphore_mem>>)
    %dma_start3A_694 = arith.constant 0 : i32
    %dma_start3A_695 = arith.constant 0 : i32
    %dma_start3A_696 = tpu.memref_slice %arg11[%dma_start3A_694, %dma_start3A_695] : memref<256x128xf32, #tpu.memory_space<vmem>> -> memref<128x128xf32, #tpu.memory_space<vmem>>
    %dma_start3A_697 = arith.constant 256 : i32
    %dma_start3A_698 = tpu.memref_slice %arg9[%dma_start3A_697] : memref<512xi32, #tpu.memory_space<vmem>> -> memref<128xi32, #tpu.memory_space<vmem>>
    %dma_start3A_699 = arith.constant 0 : i32
    %dma_start3A_700 = arith.constant 0 : i32
    %dma_start3A_701 = tpu.memref_slice %arg5[%dma_start3A_699, %dma_start3A_700] : memref<262144x128xf32, #tpu.memory_space<hbm>> -> memref<262144x128xf32, #tpu.memory_space<hbm>>
    tpu.enqueue_indirect_dma source(%dma_start3A_701 : memref<262144x128xf32, #tpu.memory_space<hbm>>) target(%dma_start3A_696 : memref<128x128xf32, #tpu.memory_space<vmem>>) offsets(%dma_start3A_698 : memref<128xi32, #tpu.memory_space<vmem>>) semaphore(%arg12 : memref<!tpu.dma_semaphore, #tpu.memory_space<semaphore_mem>>)
    %dma_start3A_702 = arith.constant 128 : i32
    %dma_start3A_703 = arith.constant 0 : i32
    %dma_start3A_704 = tpu.memref_slice %arg10[%dma_start3A_702, %dma_start3A_703] : memref<256x128xf32, #tpu.memory_space<vmem>> -> memref<128x128xf32, #tpu.memory_space<vmem>>
    %dma_start3A_705 = arith.constant 384 : i32
    %dma_start3A_706 = tpu.memref_slice %arg8[%dma_start3A_705] : memref<512xi32, #tpu.memory_space<vmem>> -> memref<128xi32, #tpu.memory_space<vmem>>
    %dma_start3A_707 = arith.constant 0 : i32
    %dma_start3A_708 = arith.constant 0 : i32
    %dma_start3A_709 = tpu.memref_slice %arg4[%dma_start3A_707, %dma_start3A_708] : memref<262144x128xf32, #tpu.memory_space<hbm>> -> memref<262144x128xf32, #tpu.memory_space<hbm>>
    tpu.enqueue_indirect_dma source(%dma_start3A_709 : memref<262144x128xf32, #tpu.memory_space<hbm>>) target(%dma_start3A_704 : memref<128x128xf32, #tpu.memory_space<vmem>>) offsets(%dma_start3A_706 : memref<128xi32, #tpu.memory_space<vmem>>) semaphore(%arg12 : memref<!tpu.dma_semaphore, #tpu.memory_space<semaphore_mem>>)
    %dma_start3A_710 = arith.constant 128 : i32
    %dma_start3A_711 = arith.constant 0 : i32
    %dma_start3A_712 = tpu.memref_slice %arg11[%dma_start3A_710, %dma_start3A_711] : memref<256x128xf32, #tpu.memory_space<vmem>> -> memref<128x128xf32, #tpu.memory_space<vmem>>
    %dma_start3A_713 = arith.constant 384 : i32
    %dma_start3A_714 = tpu.memref_slice %arg9[%dma_start3A_713] : memref<512xi32, #tpu.memory_space<vmem>> -> memref<128xi32, #tpu.memory_space<vmem>>
    %dma_start3A_715 = arith.constant 0 : i32
    %dma_start3A_716 = arith.constant 0 : i32
    %dma_start3A_717 = tpu.memref_slice %arg5[%dma_start3A_715, %dma_start3A_716] : memref<262144x128xf32, #tpu.memory_space<hbm>> -> memref<262144x128xf32, #tpu.memory_space<hbm>>
    tpu.enqueue_indirect_dma source(%dma_start3A_717 : memref<262144x128xf32, #tpu.memory_space<hbm>>) target(%dma_start3A_712 : memref<128x128xf32, #tpu.memory_space<vmem>>) offsets(%dma_start3A_714 : memref<128xi32, #tpu.memory_space<vmem>>) semaphore(%arg12 : memref<!tpu.dma_semaphore, #tpu.memory_space<semaphore_mem>>)
    %add3A_718 = arith.constant 256 : i32
    %add3A_719 = arith.addi %mul3A_2, %add3A_718 : i32
    %dma_wait3A_720 = arith.constant 0 : i32
    %dma_wait3A_721 = tpu.memref_slice %arg6[%add3A_719, %dma_wait3A_720] : memref<16384x128xf32, #tpu.memory_space<hbm>> -> memref<256x128xf32, #tpu.memory_space<hbm>>
    %dma_wait3A_722 = arith.constant 0 : i32
    %dma_wait3A_723 = tpu.memref_slice %arg6[%add3A_719, %dma_wait3A_722] : memref<16384x128xf32, #tpu.memory_space<hbm>> -> memref<256x128xf32, #tpu.memory_space<hbm>>
    tpu.wait_dma2 semaphore(%arg12 : memref<!tpu.dma_semaphore, #tpu.memory_space<semaphore_mem>>) src(%dma_wait3A_723 : memref<256x128xf32, #tpu.memory_space<hbm>>) dst(%arg10 : memref<256x128xf32, #tpu.memory_space<vmem>>)
    %add3A_724 = arith.constant 256 : i32
    %add3A_725 = arith.addi %mul3A_2, %add3A_724 : i32
    %dma_wait3A_726 = arith.constant 0 : i32
    %dma_wait3A_727 = tpu.memref_slice %arg7[%add3A_725, %dma_wait3A_726] : memref<16384x128xf32, #tpu.memory_space<hbm>> -> memref<256x128xf32, #tpu.memory_space<hbm>>
    %dma_wait3A_728 = arith.constant 0 : i32
    %dma_wait3A_729 = tpu.memref_slice %arg7[%add3A_725, %dma_wait3A_728] : memref<16384x128xf32, #tpu.memory_space<hbm>> -> memref<256x128xf32, #tpu.memory_space<hbm>>
    tpu.wait_dma2 semaphore(%arg12 : memref<!tpu.dma_semaphore, #tpu.memory_space<semaphore_mem>>) src(%dma_wait3A_729 : memref<256x128xf32, #tpu.memory_space<hbm>>) dst(%arg11 : memref<256x128xf32, #tpu.memory_space<vmem>>)
    %add3A_730 = arith.constant 256 : i32
    %add3A_731 = arith.addi %mul3A_2, %add3A_730 : i32
    "tpu.region"() ({
      %run_scoped3A = tpu.sem_alloc : memref<!tpu.dma_semaphore, #tpu.memory_space<semaphore_mem>>
      %dma_start3A_734 = arith.constant 0 : i32
      %dma_start3A_735 = tpu.memref_slice %arg6[%add3A_731, %dma_start3A_734] : memref<16384x128xf32, #tpu.memory_space<hbm>> -> memref<256x128xf32, #tpu.memory_space<hbm>>
      %dma_start3A_736 = arith.constant 0 : i32
      %dma_start3A_737 = tpu.memref_slice %arg6[%add3A_731, %dma_start3A_736] : memref<16384x128xf32, #tpu.memory_space<hbm>> -> memref<256x128xf32, #tpu.memory_space<hbm>>
      tpu.enqueue_dma source(%arg10 : memref<256x128xf32, #tpu.memory_space<vmem>>) target(%dma_start3A_737 : memref<256x128xf32, #tpu.memory_space<hbm>>) target_semaphore(%run_scoped3A : memref<!tpu.dma_semaphore, #tpu.memory_space<semaphore_mem>>)
      %dma_wait3A_738 = arith.constant 0 : i32
      %dma_wait3A_739 = tpu.memref_slice %arg6[%add3A_731, %dma_wait3A_738] : memref<16384x128xf32, #tpu.memory_space<hbm>> -> memref<256x128xf32, #tpu.memory_space<hbm>>
      %dma_wait3A_740 = arith.constant 0 : i32
      %dma_wait3A_741 = tpu.memref_slice %arg6[%add3A_731, %dma_wait3A_740] : memref<16384x128xf32, #tpu.memory_space<hbm>> -> memref<256x128xf32, #tpu.memory_space<hbm>>
      tpu.wait_dma2 semaphore(%run_scoped3A : memref<!tpu.dma_semaphore, #tpu.memory_space<semaphore_mem>>) src(%arg10 : memref<256x128xf32, #tpu.memory_space<vmem>>) dst(%dma_wait3A_741 : memref<256x128xf32, #tpu.memory_space<hbm>>)
      tpu.yield
    }) : () -> ()
    %add3A_732 = arith.constant 256 : i32
    %add3A_733 = arith.addi %mul3A_2, %add3A_732 : i32
    "tpu.region"() ({
      %run_scoped3A = tpu.sem_alloc : memref<!tpu.dma_semaphore, #tpu.memory_space<semaphore_mem>>
      %dma_start3A_734 = arith.constant 0 : i32
      %dma_start3A_735 = tpu.memref_slice %arg7[%add3A_733, %dma_start3A_734] : memref<16384x128xf32, #tpu.memory_space<hbm>> -> memref<256x128xf32, #tpu.memory_space<hbm>>
      %dma_start3A_736 = arith.constant 0 : i32
      %dma_start3A_737 = tpu.memref_slice %arg7[%add3A_733, %dma_start3A_736] : memref<16384x128xf32, #tpu.memory_space<hbm>> -> memref<256x128xf32, #tpu.memory_space<hbm>>
      tpu.enqueue_dma source(%arg11 : memref<256x128xf32, #tpu.memory_space<vmem>>) target(%dma_start3A_737 : memref<256x128xf32, #tpu.memory_space<hbm>>) target_semaphore(%run_scoped3A : memref<!tpu.dma_semaphore, #tpu.memory_space<semaphore_mem>>)
      %dma_wait3A_738 = arith.constant 0 : i32
      %dma_wait3A_739 = tpu.memref_slice %arg7[%add3A_733, %dma_wait3A_738] : memref<16384x128xf32, #tpu.memory_space<hbm>> -> memref<256x128xf32, #tpu.memory_space<hbm>>
      %dma_wait3A_740 = arith.constant 0 : i32
      %dma_wait3A_741 = tpu.memref_slice %arg7[%add3A_733, %dma_wait3A_740] : memref<16384x128xf32, #tpu.memory_space<hbm>> -> memref<256x128xf32, #tpu.memory_space<hbm>>
      tpu.wait_dma2 semaphore(%run_scoped3A : memref<!tpu.dma_semaphore, #tpu.memory_space<semaphore_mem>>) src(%arg11 : memref<256x128xf32, #tpu.memory_space<vmem>>) dst(%dma_wait3A_741 : memref<256x128xf32, #tpu.memory_space<hbm>>)
      tpu.yield
    }) : () -> ()
    return
  }
}

module attributes {stable_mosaic.version = 14 : i64} {
  func.func @_tp_body(%arg0: i32, %arg1: memref<64x4096xf32, #tpu.memory_space<vmem>>, %arg2: memref<64x4096xf32, #tpu.memory_space<vmem>>, %arg3: memref<64x4096xf32, #tpu.memory_space<vmem>>, %arg4: memref<64x4096xf32, #tpu.memory_space<vmem>>, %arg5: memref<4096x128xf32, #tpu.memory_space<vmem>>) attributes {dimension_semantics = [#tpu.dimension_semantics<arbitrary>], iteration_bounds = array<i64: 64>, scalar_prefetch = 0 : i64, scratch_operands = 0 : i64, tpu.core_type = #tpu.core_type<tc>, window_params = [{transform_indices = @transform_0, window_bounds = array<i64: 64, 4096>}, {transform_indices = @transform_1, window_bounds = array<i64: 64, 4096>}, {transform_indices = @transform_2, window_bounds = array<i64: 64, 4096>}, {transform_indices = @transform_3, window_bounds = array<i64: 64, 4096>}, {transform_indices = @transform_4, window_bounds = array<i64: 4096, 128>}]} {
    %get3A = arith.constant 0 : index
    %get3A_0 = arith.constant 0 : index
    %get3A_1 = vector.load %arg1[%get3A, %get3A_0] : memref<64x4096xf32, #tpu.memory_space<vmem>>, vector<64x4096xf32>
    %transpose3A = tpu.transpose %get3A_1, [1, 0] : vector<64x4096xf32> -> vector<4096x64xf32>
    %get3A_2 = arith.constant 0 : index
    %get3A_3 = arith.constant 0 : index
    %get3A_4 = vector.load %arg2[%get3A_2, %get3A_3] : memref<64x4096xf32, #tpu.memory_space<vmem>>, vector<64x4096xf32>
    %transpose3A_5 = tpu.transpose %get3A_4, [1, 0] : vector<64x4096xf32> -> vector<4096x64xf32>
    %get3A_6 = arith.constant 0 : index
    %get3A_7 = arith.constant 0 : index
    %get3A_8 = vector.load %arg3[%get3A_6, %get3A_7] : memref<64x4096xf32, #tpu.memory_space<vmem>>, vector<64x4096xf32>
    %transpose3A_9 = tpu.transpose %get3A_8, [1, 0] : vector<64x4096xf32> -> vector<4096x64xf32>
    %get3A_10 = arith.constant 0 : index
    %get3A_11 = arith.constant 0 : index
    %get3A_12 = vector.load %arg4[%get3A_10, %get3A_11] : memref<64x4096xf32, #tpu.memory_space<vmem>>, vector<64x4096xf32>
    %transpose3A_13 = tpu.transpose %get3A_12, [1, 0] : vector<64x4096xf32> -> vector<4096x64xf32>
    %bitcast_convert_type3A = tpu.bitcast %transpose3A : vector<4096x64xf32> -> vector<4096x64xi32>
    %add3A = arith.constant 32768 : i32
    %add3A_14 = vector.broadcast %add3A : i32 to vector<4096x64xi32>
    %add3A_15 = arith.addi %bitcast_convert_type3A, %add3A_14 : vector<4096x64xi32>
    %and3A = arith.constant -65536 : i32
    %and3A_16 = vector.broadcast %and3A : i32 to vector<4096x64xi32>
    %and3A_17 = arith.andi %add3A_15, %and3A_16 : vector<4096x64xi32>
    %bitcast_convert_type3A_18 = tpu.bitcast %transpose3A_5 : vector<4096x64xf32> -> vector<4096x64xi32>
    %add3A_19 = arith.constant 32768 : i32
    %add3A_20 = vector.broadcast %add3A_19 : i32 to vector<4096x64xi32>
    %add3A_21 = arith.addi %bitcast_convert_type3A_18, %add3A_20 : vector<4096x64xi32>
    %bitcast_convert_type3A_22 = tpu.bitcast %add3A_21 : vector<4096x64xi32> -> vector<4096x64xi32>
    %shift_right_logical3A = arith.constant 16 : i32
    %shift_right_logical3A_23 = vector.broadcast %shift_right_logical3A : i32 to vector<4096x64xi32>
    %shift_right_logical3A_24 = arith.shrui %bitcast_convert_type3A_22, %shift_right_logical3A_23 : vector<4096x64xi32>
    %bitcast_convert_type3A_25 = tpu.bitcast %shift_right_logical3A_24 : vector<4096x64xi32> -> vector<4096x64xi32>
    %or3A = arith.ori %and3A_17, %bitcast_convert_type3A_25 : vector<4096x64xi32>
    %bitcast_convert_type3A_26 = tpu.bitcast %or3A : vector<4096x64xi32> -> vector<4096x64xf32>
    %bitcast_convert_type3A_27 = tpu.bitcast %transpose3A_9 : vector<4096x64xf32> -> vector<4096x64xi32>
    %add3A_28 = arith.constant 32768 : i32
    %add3A_29 = vector.broadcast %add3A_28 : i32 to vector<4096x64xi32>
    %add3A_30 = arith.addi %bitcast_convert_type3A_27, %add3A_29 : vector<4096x64xi32>
    %and3A_31 = arith.constant -65536 : i32
    %and3A_32 = vector.broadcast %and3A_31 : i32 to vector<4096x64xi32>
    %and3A_33 = arith.andi %add3A_30, %and3A_32 : vector<4096x64xi32>
    %bitcast_convert_type3A_34 = tpu.bitcast %transpose3A_13 : vector<4096x64xf32> -> vector<4096x64xi32>
    %add3A_35 = arith.constant 32768 : i32
    %add3A_36 = vector.broadcast %add3A_35 : i32 to vector<4096x64xi32>
    %add3A_37 = arith.addi %bitcast_convert_type3A_34, %add3A_36 : vector<4096x64xi32>
    %bitcast_convert_type3A_38 = tpu.bitcast %add3A_37 : vector<4096x64xi32> -> vector<4096x64xi32>
    %shift_right_logical3A_39 = arith.constant 16 : i32
    %shift_right_logical3A_40 = vector.broadcast %shift_right_logical3A_39 : i32 to vector<4096x64xi32>
    %shift_right_logical3A_41 = arith.shrui %bitcast_convert_type3A_38, %shift_right_logical3A_40 : vector<4096x64xi32>
    %bitcast_convert_type3A_42 = tpu.bitcast %shift_right_logical3A_41 : vector<4096x64xi32> -> vector<4096x64xi32>
    %or3A_43 = arith.ori %and3A_33, %bitcast_convert_type3A_42 : vector<4096x64xi32>
    %bitcast_convert_type3A_44 = tpu.bitcast %or3A_43 : vector<4096x64xi32> -> vector<4096x64xf32>
    %concatenate3A = tpu.concatenate %bitcast_convert_type3A_26, %bitcast_convert_type3A_44 in 1 : vector<4096x64xf32>, vector<4096x64xf32> -> vector<4096x128xf32>
    %swap3A = arith.constant 0 : index
    %swap3A_45 = arith.constant 0 : index
    %swap3A_46 = vector.load %arg5[%swap3A, %swap3A_45] : memref<4096x128xf32, #tpu.memory_space<vmem>>, vector<4096x128xf32>
    tpu.vector_store %arg5[%swap3A, %swap3A_45], %concatenate3A {strides = array<i32>} : memref<4096x128xf32, #tpu.memory_space<vmem>>, vector<4096x128xf32>,
    return
  }
  func.func @transform_0(%arg0: i32) -> (i32, i32) {
    %add3A = arith.constant 0 : i32
    %add3A_0 = arith.addi %arg0, %add3A : i32
    %min3A = arith.constant 244 : i32
    %min3A_1 = arith.minsi %add3A_0, %min3A : i32
    %c0_i32 = arith.constant 0 : i32
    %c0_i32_2 = arith.constant 0 : i32
    return %c0_i32, %min3A_1 : i32, i32
  }
  func.func @transform_1(%arg0: i32) -> (i32, i32) {
    %add3A = arith.constant 64 : i32
    %add3A_0 = arith.addi %arg0, %add3A : i32
    %min3A = arith.constant 244 : i32
    %min3A_1 = arith.minsi %add3A_0, %min3A : i32
    %c0_i32 = arith.constant 0 : i32
    %c0_i32_2 = arith.constant 0 : i32
    return %c0_i32, %min3A_1 : i32, i32
  }
  func.func @transform_2(%arg0: i32) -> (i32, i32) {
    %add3A = arith.constant 128 : i32
    %add3A_0 = arith.addi %arg0, %add3A : i32
    %min3A = arith.constant 244 : i32
    %min3A_1 = arith.minsi %add3A_0, %min3A : i32
    %c0_i32 = arith.constant 0 : i32
    %c0_i32_2 = arith.constant 0 : i32
    return %c0_i32, %min3A_1 : i32, i32
  }
  func.func @transform_3(%arg0: i32) -> (i32, i32) {
    %add3A = arith.constant 192 : i32
    %add3A_0 = arith.addi %arg0, %add3A : i32
    %min3A = arith.constant 244 : i32
    %min3A_1 = arith.minsi %add3A_0, %min3A : i32
    %c0_i32 = arith.constant 0 : i32
    %c0_i32_2 = arith.constant 0 : i32
    return %c0_i32, %min3A_1 : i32, i32
  }
  func.func @transform_4(%arg0: i32) -> (i32, i32) {
    %c0_i32 = arith.constant 0 : i32
    %c0_i32_0 = arith.constant 0 : i32
    return %arg0, %c0_i32 : i32, i32
  }
}

module attributes {stable_mosaic.version = 14 : i64} {
  func.func @_mlp_body(%arg0: i32, %arg1: memref<2048x128xf32, #tpu.memory_space<vmem>>, %arg2: memref<2048x128xf32, #tpu.memory_space<vmem>>, %arg3: memref<2048x1xi32, #tpu.memory_space<vmem>>, %arg4: memref<2048x1xi32, #tpu.memory_space<vmem>>, %arg5: memref<64x64xf32, #tpu.memory_space<vmem>>, %arg6: memref<64x64xf32, #tpu.memory_space<vmem>>, %arg7: memref<1x64xf32, #tpu.memory_space<vmem>>, %arg8: memref<64x32xf32, #tpu.memory_space<vmem>>, %arg9: memref<1x32xf32, #tpu.memory_space<vmem>>, %arg10: memref<32x1xf32, #tpu.memory_space<vmem>>, %arg11: memref<1x1xf32, #tpu.memory_space<vmem>>, %arg12: memref<2048x1xf32, #tpu.memory_space<vmem>>) attributes {dimension_semantics = [#tpu.dimension_semantics<arbitrary>], iteration_bounds = array<i64: 8>, scalar_prefetch = 0 : i64, scratch_operands = 0 : i64, tpu.core_type = #tpu.core_type<tc>, window_params = [{transform_indices = @transform_0, window_bounds = array<i64: 2048, 128>}, {transform_indices = @transform_1, window_bounds = array<i64: 2048, 128>}, {transform_indices = @transform_2, window_bounds = array<i64: 2048, 1>}, {transform_indices = @transform_3, window_bounds = array<i64: 2048, 1>}, {pipeline_mode = #tpu.pipeline_mode<synchronous>, transform_indices = @transform_4, window_bounds = array<i64: 64, 64>}, {pipeline_mode = #tpu.pipeline_mode<synchronous>, transform_indices = @transform_5, window_bounds = array<i64: 64, 64>}, {pipeline_mode = #tpu.pipeline_mode<synchronous>, transform_indices = @transform_6, window_bounds = array<i64: 1, 64>}, {pipeline_mode = #tpu.pipeline_mode<synchronous>, transform_indices = @transform_7, window_bounds = array<i64: 64, 32>}, {pipeline_mode = #tpu.pipeline_mode<synchronous>, transform_indices = @transform_8, window_bounds = array<i64: 1, 32>}, {pipeline_mode = #tpu.pipeline_mode<synchronous>, transform_indices = @transform_9, window_bounds = array<i64: 32, 1>}, {pipeline_mode = #tpu.pipeline_mode<synchronous>, transform_indices = @transform_10, window_bounds = array<i64: 1, 1>}, {transform_indices = @transform_11, window_bounds = array<i64: 2048, 1>}]} {
    %get3A = arith.constant 0 : index
    %get3A_0 = arith.constant 0 : index
    %get3A_1 = vector.load %arg1[%get3A, %get3A_0] : memref<2048x128xf32, #tpu.memory_space<vmem>>, vector<2048x128xf32>
    %get3A_2 = arith.constant 0 : index
    %get3A_3 = arith.constant 0 : index
    %get3A_4 = vector.load %arg3[%get3A_2, %get3A_3] : memref<2048x1xi32, #tpu.memory_space<vmem>>, vector<2048x1xi32>
    %ge3A = arith.constant 2 : i32
    %ge3A_5 = vector.broadcast %ge3A : i32 to vector<2048x1xi32>
    %ge3A_6 = arith.cmpi sge, %get3A_4, %ge3A_5 : vector<2048x1xi32>
    %slice3A = vector.extract_strided_slice %get3A_1 {offsets = [0, 64], sizes = [2048, 64], strides = [1, 1]} : vector<2048x128xf32> to vector<2048x64xf32>
    %slice3A_7 = vector.extract_strided_slice %get3A_1 {offsets = [0, 0], sizes = [2048, 64], strides = [1, 1]} : vector<2048x128xf32> to vector<2048x64xf32>
    %broadcast_in_dim3A = vector.shape_cast %ge3A_6 : vector<2048x1xi1> to vector<2048x1xi1>
    %broadcast_in_dim3A_8 = vector.broadcast %broadcast_in_dim3A : vector<2048x1xi1> to vector<2048x64xi1>
    %select_n3A = arith.select %broadcast_in_dim3A_8, %slice3A, %slice3A_7 : vector<2048x64xi1>, vector<2048x64xf32>
    %bitcast_convert_type3A = tpu.bitcast %select_n3A : vector<2048x64xf32> -> vector<2048x64xi32>
    %and3A = arith.constant 1 : i32
    %and3A_9 = vector.broadcast %and3A : i32 to vector<2048x1xi32>
    %and3A_10 = arith.andi %get3A_4, %and3A_9 : vector<2048x1xi32>
    %eq3A = arith.constant 1 : i32
    %eq3A_11 = vector.broadcast %eq3A : i32 to vector<2048x1xi32>
    %eq3A_12 = arith.cmpi eq, %and3A_10, %eq3A_11 : vector<2048x1xi32>
    %shift_left3A = arith.constant 16 : i32
    %shift_left3A_13 = vector.broadcast %shift_left3A : i32 to vector<2048x64xi32>
    %shift_left3A_14 = arith.shli %bitcast_convert_type3A, %shift_left3A_13 : vector<2048x64xi32>
    %and3A_15 = arith.constant -65536 : i32
    %and3A_16 = vector.broadcast %and3A_15 : i32 to vector<2048x64xi32>
    %and3A_17 = arith.andi %bitcast_convert_type3A, %and3A_16 : vector<2048x64xi32>
    %broadcast_in_dim3A_18 = vector.shape_cast %eq3A_12 : vector<2048x1xi1> to vector<2048x1xi1>
    %broadcast_in_dim3A_19 = vector.broadcast %broadcast_in_dim3A_18 : vector<2048x1xi1> to vector<2048x64xi1>
    %select_n3A_20 = arith.select %broadcast_in_dim3A_19, %shift_left3A_14, %and3A_17 : vector<2048x64xi1>, vector<2048x64xi32>
    %bitcast_convert_type3A_21 = tpu.bitcast %select_n3A_20 : vector<2048x64xi32> -> vector<2048x64xf32>
    %get3A_22 = arith.constant 0 : index
    %get3A_23 = arith.constant 0 : index
    %get3A_24 = vector.load %arg2[%get3A_22, %get3A_23] : memref<2048x128xf32, #tpu.memory_space<vmem>>, vector<2048x128xf32>
    %get3A_25 = arith.constant 0 : index
    %get3A_26 = arith.constant 0 : index
    %get3A_27 = vector.load %arg4[%get3A_25, %get3A_26] : memref<2048x1xi32, #tpu.memory_space<vmem>>, vector<2048x1xi32>
    %ge3A_28 = arith.constant 2 : i32
    %ge3A_29 = vector.broadcast %ge3A_28 : i32 to vector<2048x1xi32>
    %ge3A_30 = arith.cmpi sge, %get3A_27, %ge3A_29 : vector<2048x1xi32>
    %slice3A_31 = vector.extract_strided_slice %get3A_24 {offsets = [0, 64], sizes = [2048, 64], strides = [1, 1]} : vector<2048x128xf32> to vector<2048x64xf32>
    %slice3A_32 = vector.extract_strided_slice %get3A_24 {offsets = [0, 0], sizes = [2048, 64], strides = [1, 1]} : vector<2048x128xf32> to vector<2048x64xf32>
    %broadcast_in_dim3A_33 = vector.shape_cast %ge3A_30 : vector<2048x1xi1> to vector<2048x1xi1>
    %broadcast_in_dim3A_34 = vector.broadcast %broadcast_in_dim3A_33 : vector<2048x1xi1> to vector<2048x64xi1>
    %select_n3A_35 = arith.select %broadcast_in_dim3A_34, %slice3A_31, %slice3A_32 : vector<2048x64xi1>, vector<2048x64xf32>
    %bitcast_convert_type3A_36 = tpu.bitcast %select_n3A_35 : vector<2048x64xf32> -> vector<2048x64xi32>
    %and3A_37 = arith.constant 1 : i32
    %and3A_38 = vector.broadcast %and3A_37 : i32 to vector<2048x1xi32>
    %and3A_39 = arith.andi %get3A_27, %and3A_38 : vector<2048x1xi32>
    %eq3A_40 = arith.constant 1 : i32
    %eq3A_41 = vector.broadcast %eq3A_40 : i32 to vector<2048x1xi32>
    %eq3A_42 = arith.cmpi eq, %and3A_39, %eq3A_41 : vector<2048x1xi32>
    %shift_left3A_43 = arith.constant 16 : i32
    %shift_left3A_44 = vector.broadcast %shift_left3A_43 : i32 to vector<2048x64xi32>
    %shift_left3A_45 = arith.shli %bitcast_convert_type3A_36, %shift_left3A_44 : vector<2048x64xi32>
    %and3A_46 = arith.constant -65536 : i32
    %and3A_47 = vector.broadcast %and3A_46 : i32 to vector<2048x64xi32>
    %and3A_48 = arith.andi %bitcast_convert_type3A_36, %and3A_47 : vector<2048x64xi32>
    %broadcast_in_dim3A_49 = vector.shape_cast %eq3A_42 : vector<2048x1xi1> to vector<2048x1xi1>
    %broadcast_in_dim3A_50 = vector.broadcast %broadcast_in_dim3A_49 : vector<2048x1xi1> to vector<2048x64xi1>
    %select_n3A_51 = arith.select %broadcast_in_dim3A_50, %shift_left3A_45, %and3A_48 : vector<2048x64xi1>, vector<2048x64xi32>
    %bitcast_convert_type3A_52 = tpu.bitcast %select_n3A_51 : vector<2048x64xi32> -> vector<2048x64xf32>
    %get3A_53 = arith.constant 0 : index
    %get3A_54 = arith.constant 0 : index
    %get3A_55 = vector.load %arg5[%get3A_53, %get3A_54] : memref<64x64xf32, #tpu.memory_space<vmem>>, vector<64x64xf32>
    %dot_general3A = arith.constant dense<0.000000e+00> : vector<2048x64xf32>
    %dot_general3A_56 = tpu.matmul %bitcast_convert_type3A_21, %get3A_55, %dot_general3A {dimension_numbers = #tpu.dot_dimension_numbers<[1], [0], [0], [1], [0, 0, 1, 1], [], []>, transpose_lhs_hint = false} : vector<2048x64xf32>, vector<64x64xf32>, vector<2048x64xf32> -> vector<2048x64xf32>
    %get3A_57 = arith.constant 0 : index
    %get3A_58 = arith.constant 0 : index
    %get3A_59 = vector.load %arg6[%get3A_57, %get3A_58] : memref<64x64xf32, #tpu.memory_space<vmem>>, vector<64x64xf32>
    %dot_general3A_60 = arith.constant dense<0.000000e+00> : vector<2048x64xf32>
    %dot_general3A_61 = tpu.matmul %bitcast_convert_type3A_52, %get3A_59, %dot_general3A_60 {dimension_numbers = #tpu.dot_dimension_numbers<[1], [0], [0], [1], [0, 0, 1, 1], [], []>, transpose_lhs_hint = false} : vector<2048x64xf32>, vector<64x64xf32>, vector<2048x64xf32> -> vector<2048x64xf32>
    %add3A = arith.addf %dot_general3A_56, %dot_general3A_61 : vector<2048x64xf32>
    %get3A_62 = arith.constant 0 : index
    %get3A_63 = arith.constant 0 : index
    %get3A_64 = vector.load %arg7[%get3A_62, %get3A_63] : memref<1x64xf32, #tpu.memory_space<vmem>>, vector<1x64xf32>
    %add3A_65 = vector.broadcast %get3A_64 : vector<1x64xf32> to vector<2048x64xf32>
    %add3A_66 = arith.addf %add3A, %add3A_65 : vector<2048x64xf32>
    %max3A = arith.constant 0.000000e+00 : f32
    %max3A_67 = vector.broadcast %max3A : f32 to vector<2048x64xf32>
    %max3A_68 = arith.maximumf %add3A_66, %max3A_67 : vector<2048x64xf32>
    %get3A_69 = arith.constant 0 : index
    %get3A_70 = arith.constant 0 : index
    %get3A_71 = vector.load %arg8[%get3A_69, %get3A_70] : memref<64x32xf32, #tpu.memory_space<vmem>>, vector<64x32xf32>
    %dot_general3A_72 = arith.constant dense<0.000000e+00> : vector<2048x32xf32>
    %dot_general3A_73 = tpu.matmul %max3A_68, %get3A_71, %dot_general3A_72 {dimension_numbers = #tpu.dot_dimension_numbers<[1], [0], [0], [1], [0, 0, 1, 1], [], []>, transpose_lhs_hint = false} : vector<2048x64xf32>, vector<64x32xf32>, vector<2048x32xf32> -> vector<2048x32xf32>
    %get3A_74 = arith.constant 0 : index
    %get3A_75 = arith.constant 0 : index
    %get3A_76 = vector.load %arg9[%get3A_74, %get3A_75] : memref<1x32xf32, #tpu.memory_space<vmem>>, vector<1x32xf32>
    %add3A_77 = vector.broadcast %get3A_76 : vector<1x32xf32> to vector<2048x32xf32>
    %add3A_78 = arith.addf %dot_general3A_73, %add3A_77 : vector<2048x32xf32>
    %max3A_79 = arith.constant 0.000000e+00 : f32
    %max3A_80 = vector.broadcast %max3A_79 : f32 to vector<2048x32xf32>
    %max3A_81 = arith.maximumf %add3A_78, %max3A_80 : vector<2048x32xf32>
    %get3A_82 = arith.constant 0 : index
    %get3A_83 = arith.constant 0 : index
    %get3A_84 = vector.load %arg10[%get3A_82, %get3A_83] : memref<32x1xf32, #tpu.memory_space<vmem>>, vector<32x1xf32>
    %dot_general3A_85 = arith.constant dense<0.000000e+00> : vector<2048x1xf32>
    %dot_general3A_86 = tpu.matmul %max3A_81, %get3A_84, %dot_general3A_85 {dimension_numbers = #tpu.dot_dimension_numbers<[1], [0], [0], [1], [0, 0, 1, 1], [], []>, transpose_lhs_hint = false} : vector<2048x32xf32>, vector<32x1xf32>, vector<2048x1xf32> -> vector<2048x1xf32>
    %get3A_87 = arith.constant 0 : index
    %get3A_88 = arith.constant 0 : index
    %get3A_89 = vector.load %arg11[%get3A_87, %get3A_88] : memref<1x1xf32, #tpu.memory_space<vmem>>, vector<1x1xf32>
    %add3A_90 = vector.broadcast %get3A_89 : vector<1x1xf32> to vector<2048x1xf32>
    %add3A_91 = arith.addf %dot_general3A_86, %add3A_90 : vector<2048x1xf32>
    %swap3A = arith.constant 0 : index
    %swap3A_92 = arith.constant 0 : index
    %swap3A_93 = vector.load %arg12[%swap3A, %swap3A_92] : memref<2048x1xf32, #tpu.memory_space<vmem>>, vector<2048x1xf32>
    tpu.vector_store %arg12[%swap3A, %swap3A_92], %add3A_91 {strides = array<i32>} : memref<2048x1xf32, #tpu.memory_space<vmem>>, vector<2048x1xf32>,
    return
  }
  func.func @transform_0(%arg0: i32) -> (i32, i32) {
    %c0_i32 = arith.constant 0 : i32
    %c0_i32_0 = arith.constant 0 : i32
    return %arg0, %c0_i32 : i32, i32
  }
  func.func @transform_1(%arg0: i32) -> (i32, i32) {
    %c0_i32 = arith.constant 0 : i32
    %c0_i32_0 = arith.constant 0 : i32
    return %arg0, %c0_i32 : i32, i32
  }
  func.func @transform_2(%arg0: i32) -> (i32, i32) {
    %c0_i32 = arith.constant 0 : i32
    %c0_i32_0 = arith.constant 0 : i32
    return %arg0, %c0_i32 : i32, i32
  }
  func.func @transform_3(%arg0: i32) -> (i32, i32) {
    %c0_i32 = arith.constant 0 : i32
    %c0_i32_0 = arith.constant 0 : i32
    return %arg0, %c0_i32 : i32, i32
  }
  func.func @transform_4(%arg0: i32) -> (i32, i32) {
    %c0_i32 = arith.constant 0 : i32
    %c0_i32_0 = arith.constant 0 : i32
    %c0_i32_1 = arith.constant 0 : i32
    return %c0_i32, %c0_i32_0 : i32, i32
  }
  func.func @transform_5(%arg0: i32) -> (i32, i32) {
    %c0_i32 = arith.constant 0 : i32
    %c0_i32_0 = arith.constant 0 : i32
    %c0_i32_1 = arith.constant 0 : i32
    return %c0_i32, %c0_i32_0 : i32, i32
  }
  func.func @transform_6(%arg0: i32) -> (i32, i32) {
    %c0_i32 = arith.constant 0 : i32
    %c0_i32_0 = arith.constant 0 : i32
    %c0_i32_1 = arith.constant 0 : i32
    return %c0_i32, %c0_i32_0 : i32, i32
  }
  func.func @transform_7(%arg0: i32) -> (i32, i32) {
    %c0_i32 = arith.constant 0 : i32
    %c0_i32_0 = arith.constant 0 : i32
    %c0_i32_1 = arith.constant 0 : i32
    return %c0_i32, %c0_i32_0 : i32, i32
  }
  func.func @transform_8(%arg0: i32) -> (i32, i32) {
    %c0_i32 = arith.constant 0 : i32
    %c0_i32_0 = arith.constant 0 : i32
    %c0_i32_1 = arith.constant 0 : i32
    return %c0_i32, %c0_i32_0 : i32, i32
  }
  func.func @transform_9(%arg0: i32) -> (i32, i32) {
    %c0_i32 = arith.constant 0 : i32
    %c0_i32_0 = arith.constant 0 : i32
    %c0_i32_1 = arith.constant 0 : i32
    return %c0_i32, %c0_i32_0 : i32, i32
  }
  func.func @transform_10(%arg0: i32) -> (i32, i32) {
    %c0_i32 = arith.constant 0 : i32
    %c0_i32_0 = arith.constant 0 : i32
    %c0_i32_1 = arith.constant 0 : i32
    return %c0_i32, %c0_i32_0 : i32, i32
  }
  func.func @transform_11(%arg0: i32) -> (i32, i32) {
    %c0_i32 = arith.constant 0 : i32
    %c0_i32_0 = arith.constant 0 : i32
    return %arg0, %c0_i32 : i32, i32
  }
}

</mosaic_0001>

<sc_bundles>
// kernel: kernel.6.cloned.1.call-start
scs
__scs_entry_jumppad:
0x0: {  	(pc) =	sbr.rel $0x88, $3  }
0x1: {  	(tag) =	ssettag $0x0;
	lr =	simm.s32 $0x1  }
0x2: {  	[smem:$0x3F97] =	sst lr;
	_ =	strace $0xD0000000  }
0x3: {  	_ = 	snop  }
0x4: {  	_ = 	snop  }
0x5: {  	_ = 	snop  }
0x6: {  	_ = 	snop  }
0x7: {  	_ = 	snop  }
__scs_overlays_trampoline_lowered:
0x8: {  	[smem:$0x3FA6] =	sst s0  }
0x9: {  	[smem:$0x3FA7] =	sst s1  }
0xa: {  	[smem:$0x3FA8] =	sst s2  }
0xb: {  	[smem:$0x3FA9] =	sst s3  }
0xc: {  	[smem:$0x3FAA] =	sst s4  }
0xd: {  	[smem:$0x3FAB] =	sst s5  }
0xe: {  	[smem:$0x3FAC] =	sst s6  }
0xf: {  	[smem:$0x3FAD] =	sst s7  }
0x10: {  	[smem:$0x3FAE] =	sst s8  }
0x11: {  	[smem:$0x3FAF] =	sst s9;
	s0 =	simm.s32 @!p0 $0x0  }
0x12: {  	s1 =	sld [smem:$0x3F95];
	s0 =	simm.s32 @p0 $0x1  }
0x13: {  	[smem:$0x3FB0] =	sst s0;
	s0 =	simm.s32 @!p1 $0x0  }
0x14: {  	s2 =	sld [smem:$0x3F94];
	s0 =	simm.s32 @p1 $0x1  }
0x15: {  	[smem:$0x3FB1] =	sst s0;
	s0 =	simm.s32 @!p2 $0x0  }
0x16: {  	s3 =	sld [smem:$0x3FDB];
	s0 =	simm.s32 @p2 $0x1  }
0x17: {  	s4 =	simm.s32 $0x1BF5;
	[smem:$0x3FB3] =	sst s0  }
0x18: {  	s0 =	sld [smem:$0x3F96];
	_ =	swait.ge [sflag:s4], $0x0  }
0x19: {  	s7 =	sld [smem:$0x3F97]  }
0x1a: {  	s8 =	sadd.s32 $0xFFFFE003, lr  }
0x1b: {  	s9 =	sadd.s32 $0xFFFFFEF7, lr;
	s5 =	simm.s32 $0xFFFFFFFF;
	p2 =	slt.u32 s8, $0xFFFFF086  }
0x1c: {  	p1 =	slt.u32 s9, $0xF7A;
	s5 =	simm.s32 @!p2 $0x0  }
0x1d: {  	s5 =	simm.s32 @p1 $0x1;
	p0 =	seq.s32 s7, s2  }
0x1e: {  	s7 =	smul.u32 @!p0 $0xF7A, s2;
	p2 =	seq.s32 @!p0 s5, $0x0  }
0x1f: {  	s9 =	smul.u32 $0xF7A, s1;
	s8 =	simm.s32 @!p0 $0x1BF5;
	p2 =	por !p2, p0  }
0x20: {  	[sflag:s8] =	ssyncset.s32 @!p0 $0xFFFFF086;
	s6 =	sadd.s32 @!p0 s3, s7;
	s7 =	simm.s32 @!p0 $0x108  }
0x21: {  	s3 =	sadd.s32 s3, s9;
	s6 =	sadd.s32 @!p0 $0x88, s6;
	s7 =	simm.s32 @p2 $0x1082  }
0x22: {  	[simem:s7], [sflag:s8] =	dma.local @!p0 [hbm:s6], $0xF7A  }
0x23: {  	s9 =	sor.u32 $0xD0000000, s2;
	s6 =	simm.s32 $0x108;
	_ =	swait.ge @!p0 [sflag:s8], $0x0  }
0x24: {  	s3 =	sadd.s32 $0x88, s3;
	s6 =	simm.s32 @!p1 $0x1082;
	[sflag:s4] =	ssyncset.s32 $0xFFFFF086  }
0x25: {  	[simem:s6], [sflag:s4] =	dma.local [hbm:s3], $0xF7A  }
0x26: {  	[smem:$0x3F97] =	sst s1;
	(tag) =	ssettag s2;
	_ =	strace s9  }
0x27: {  	s1 =	sld [smem:$0x3FA7]  }
0x28: {  	s2 =	sld [smem:$0x3FA8]  }
0x29: {  	s4 =	sld [smem:$0x3FAA]  }
0x2a: {  	p0 =	seq.s32 s5, $0x0;
	s5 =	sld [smem:$0x3FAB]  }
0x2b: {  	s6 =	sld [smem:$0x3FAC]  }
0x2c: {  	s7 =	sld [smem:$0x3FAD]  }
0x2d: {  	s3 =	simm.s32 $0x108;
	s8 =	sld [smem:$0x3FAE]  }
0x2e: {  	s3 =	simm.s32 @!p0 $0x1082;
	s9 =	sld [smem:$0x3FAF]  }
0x2f: {  	lr =	sadd.s32 s0, s3;
	s0 =	sld [smem:$0x3FA6]  }
0x30: {  	s3 =	sld [smem:$0x3FA9]  }
0x31: {  	[smem:$0x3FB2] =	sst s10  }
0x32: {  	s10 =	sld [smem:$0x3FB0];
	_ =	sdelay $0x3  }
0x33: {  	p0 =	seq.s32 s10, $0x1;
	s10 =	sld [smem:$0x3FB2];
	_ =	sdelay $0x3  }
0x34: {  	[smem:$0x3FB2] =	sst s10  }
0x35: {  	s10 =	sld [smem:$0x3FB1];
	_ =	sdelay $0x3  }
0x36: {  	p1 =	seq.s32 s10, $0x1;
	s10 =	sld [smem:$0x3FB2];
	_ =	sdelay $0x3  }
0x37: {  	[smem:$0x3FB2] =	sst s10  }
0x38: {  	s10 =	sld [smem:$0x3FB3]  }
0x39: {  	_ = 	snop;
	(pc) =	sbr.ind lr, $3  }
0x3a: {  	_ = 	snop  }
0x3b: {  	_ = 	snop  }
0x3c: {  	p2 =	seq.s32 s10, $0x1;
	s10 =	sld [smem:$0x3FB2]  }
0x3d: {  	_ =	shalt  }
0x3e: {  	_ =	shalt  }
0x3f: {  	_ =	shalt  }
0x40: {  	_ =	shalt  }
0x41: {  	_ =	shalt  }
0x42: {  	_ =	shalt  }
0x43: {  	_ =	shalt  }
0x44: {  	_ =	shalt  }
0x45: {  	_ =	shalt  }
0x46: {  	_ =	shalt  }
0x47: {  	_ =	shalt  }
0x48: {  	_ =	shalt  }
0x49: {  	_ =	shalt  }
0x4a: {  	_ =	shalt  }
0x4b: {  	_ =	shalt  }
0x4c: {  	_ =	shalt  }
0x4d: {  	_ =	shalt  }
0x4e: {  	_ =	shalt  }
0x4f: {  	_ =	shalt  }
0x50: {  	_ =	shalt  }
0x51: {  	_ =	shalt  }
0x52: {  	_ =	shalt  }
0x53: {  	_ =	shalt  }
0x54: {  	_ =	shalt  }
0x55: {  	_ =	shalt  }
0x56: {  	_ =	shalt  }
0x57: {  	_ =	shalt  }
0x58: {  	_ =	shalt  }
0x59: {  	_ =	shalt  }
0x5a: {  	_ =	shalt  }
0x5b: {  	_ =	shalt  }
0x5c: {  	_ =	shalt  }
0x5d: {  	_ =	shalt  }
0x5e: {  	_ =	shalt  }
0x5f: {  	_ =	shalt  }
0x60: {  	_ =	shalt  }
0x61: {  	_ =	shalt  }
0x62: {  	_ =	shalt  }
0x63: {  	_ =	shalt  }
0x64: {  	_ =	shalt  }
0x65: {  	_ =	shalt  }
0x66: {  	_ =	shalt  }
0x67: {  	_ =	shalt  }
0x68: {  	_ =	shalt  }
0x69: {  	_ =	shalt  }
0x6a: {  	_ =	shalt  }
0x6b: {  	_ =	shalt  }
0x6c: {  	_ =	shalt  }
0x6d: {  	_ =	shalt  }
0x6e: {  	_ =	shalt  }
0x6f: {  	_ =	shalt  }
0x70: {  	_ =	shalt  }
0x71: {  	_ =	shalt  }
0x72: {  	_ =	shalt  }
0x73: {  	_ =	shalt  }
0x74: {  	_ =	shalt  }
0x75: {  	_ =	shalt  }
0x76: {  	_ =	shalt  }
0x77: {  	_ =	shalt  }
0x78: {  	_ =	shalt  }
0x79: {  	_ =	shalt  }
0x7a: {  	_ =	shalt  }
0x7b: {  	_ =	shalt  }
0x7c: {  	_ =	shalt  }
0x7d: {  	_ =	shalt  }
0x7e: {  	_ =	shalt  }
0x7f: {  	_ =	shalt  }
0x80: {  	_ =	shalt  }
0x81: {  	_ =	shalt  }
0x82: {  	_ =	shalt  }
0x83: {  	_ =	shalt  }
0x84: {  	_ =	shalt  }
0x85: {  	_ =	shalt  }
0x86: {  	_ =	shalt  }
0x87: {  	_ =	shalt  }
.Lfunc_end0:
.L_simem_size_0:
called_computation_lowered:
.L_overlay_start_0:
0x88: {  	s2 =	sld [smem:$0x3FD9]  }
0x89: {  	s3 =	sld [smem:$0x3FFE];
	_ =	sdelay $0x1  }
0x8a: {  	s1 =	srdreg.scid  }
0x8b: {  	s0 =	sand.u32 $0x1, s1  }
0x8c: {  	s17 =	sshll.u32 s0, $0xA;
	s2 =	sadd.s32 s3, s2  }
0x8d: {  	s2 =	sadd.s32 s2, s17  }
0x8e: {  	[smem:$0x3FBE] =	sst s2  }
0x8f: {  	_ = 	snop  }
0x90: {  	s2 =	sld [smem:$0x3FC9]  }
0x91: {  	s18 =	sld [smem:$0x3FC8];
	(tm) =	ssettm $0x1  }
0x92: {  	s4 =	sld [smem:$0x3FFB];
	_ =	sdelay $0x3  }
0x93: {  	_ =	strace s4  }
0x94: {  	s4 =	sld [smem:$0x3FFC];
	_ =	sdelay $0x3  }
0x95: {  	_ =	strace s4  }
0x96: {  	s4 =	sld [smem:$0x3FFD];
	_ =	sdelay $0x3  }
0x97: {  	_ =	strace s4  }
0x98: {  	_ =	strace $0x8FFFFFFF  }
0x99: {  	s19 =	sld [smem:$0x3FDB];
	_ =	sdelay $0x1  }
0x9a: {  	s5 =	simm.s32 $_scs_section_size  }
0x9b: {  	s6 =	simm.s32 $_size__tile_overlayer_lowered;
	s7 =	simm.s32 $_tile_overlayer_lowered  }
0x9c: {  	s22 =	simm.s32 $0x1BFF;
	s21 =	sshll.u32 s7, $0x1;
	s4 =	sadd.s32 s5, s19  }
0x9d: {  	s8 =	simm.s32 $0x0;
	s20 =	sshll.u32 s6, $0x1;
	s6 =	sadd.s32 s21, s4  }
0x9e: {  	[timem:s8], [sflag:s22] =	dma.local [hbm:s6], s20  }
0x9f: {  	_ =	swait.ge [sflag:s22], s20  }
0xa0: {  	s5 =	ssub.s32 $0x0, s20;
	[sflag:s22] =	ssyncset.done $0x0  }
0xa1: {  	[sflag:s22] =	ssyncadd.s32 s5;
	_ =	sdelay $0x1  }
0xa2: {  	s23 =	simm.s32 $0x1B8B  }
0xa3: {  	_ =	swait.ge [sflag:s23], $0x1  }
0xa4: {  	[sflag:s23] =	ssyncset.done $0x0  }
0xa5: {  	s25 =	simm.s32 $0x1B8E;
	s24 =	sld [smem:$0x3FFE];
	[sflag:s23] =	ssyncadd.s32 $0xFFFFFFFF  }
0xa6: {  	s26 =	simm.s32 $execute0_lowered;
	[smem:$0x3FD2] =	sst s25  }
0xa7: {  	s6 =	sshll.u32 s26, $0x1;
	_ =	strace $0x80000046;
	[dreg:$0x1] =	wrdreg $0xFFFFFFFF  }
0xa8: {  	s28 =	simm.s32 $_size_execute0_lowered;
	s4 =	sadd.s32 s4, s6;
	[dreg:$0x0] =	wrdreg $0x0  }
0xa9: {  	s6 =	sshll.u32 s28, $0x1;
	[dreg:$0x2] =	wrdreg s4  }
0xaa: {  	[dreg:$0x3] =	wrdreg s6  }
0xab: {  	[dreg:$0x4] =	wrdreg $0xC0  }
0xac: {  	_ =	task [dreg:s8], $0x5FFFF  }
0xad: {  	[dreg:$0x1] =	wrdreg $0xFFFFFFFF  }
0xae: {  	[dreg:$0x0] =	wrdreg $0x60  }
0xaf: {  	[dreg:$0x2] =	wrdreg s2  }
0xb0: {  	[dreg:$0x3] =	wrdreg s18  }
0xb1: {  	[dreg:$0x4] =	wrdreg s24  }
0xb2: {  	[dreg:$0x5] =	wrdreg $0x9  }
0xb3: {  	_ =	task.clear_ibuf [dreg:s8], $0x6FFFF;
	_ =	strace $0x90000046  }
0xb4: {  	s29 =	simm.s32 $0x9;
	_ =	strace $0x80000048  }
0xb5: {  	_ =	swait.ge [sflag:s29], $0x1  }
0xb6: {  	[sflag:s29] =	ssyncadd.s32 $0xFFFFFFFF  }
0xb7: {  	_ =	strace $0x90000048  }
0xb8: {  	_ =	sfence  }
0xb9: {  	s30 =	sld [smem:$0x0];
	_ =	sdelay $0x2  }
0xba: {  	s31 =	sshll.u32 s1, $0xD;
	s1 =	sshrl.u32 s1, $0x2  }
0xbb: {  	s3 =	sand.u32 $0x4000, s31;
	s1 =	sadd.s32 s1, s30  }
0xbc: {  	s0 =	sor.u32 s3, s0;
	s1 =	sshll.u32 s1, $0x11  }
0xbd: {  	s0 =	sor.u32 s1, s0  }
0xbe: {  	s0 =	sadd.s32 $0x8F2B, s0  }
0xbf: {  	[sflag:s0] =	ssyncadd.remote.s32 $0x1  }
0xc0: {  	_ =	sfence.sel $0xFFFF  }
0xc1: {  	[dreg:$0x0] =	wrdreg $0xFFFFFFFF;
	(pc) =	sbr.abs _section_cstart, $3  }
0xc2: {  	[dreg:$0x1] =	wrdreg $0xFFFFFFFF  }
0xc3: {  	_ =	task.clear_ibuf [dreg:s8], $0x2FFFF;
	_ =	strace $0x9FFFFFFF  }
0xc4: {  	(tm) =	ssettm $0x7FFFFFFF  }
0xc5: {  	_ =	shalt  }
tec
execute0_lowered:
.L_overlay_start_1:
0x0: {  	(tag) =	ssettag $0x1  }
0x1: {  	s5 =	rddreg [dreg:$0x0]  }
0x2: {  	s6 =	rddreg [dreg:$0x1]  }
0x3: {  	s7 =	rddreg [dreg:$0x2]  }
0x4: {  	s0 =	rddreg [dreg:$0x3]  }
0x5: {  	s1 =	simm.s32 $0x0;
	s8 =	srdreg.scid;
	s2 =	stileid.u32  }
0x6: {  	s13 =	simm.s32 $0x200;
	s14 =	simm.s32 $0x80;
	s15 =	simm.s32 $0x400  }
0x7: {  	s16 =	simm.s32 $0x8400;
	s17 =	simm.s32 $0x4400;
	s18 =	simm.s32 $0x280  }
0x8: {  	s19 =	simm.s32 $0xC400;
	s20 =	simm.s32 $0x1;
	s21 =	simm.s32 $0x100  }
0x9: {  	s22 =	simm.s32 $0x300;
	s23 =	simm.s32 $0x180;
	s24 =	simm.s32 $0x380  }
0xa: {  	[smem:$0x7FF] =	sst s1;
	s3 =	sadd.s32 $0x1A00, s7;
	s4 =	sadd.s32 $0x401A00, s7  }
0xb: {  	s9 =	sadd.s32 $0x801A00, s7;
	s8 =	sand.u32 $0x1, s8;
	s11 =	sshll.u32 s2, $0xA  }
0xc: {  	s12 =	sadd.s32 $0x841A00, s7;
	s10 =	ssub.s32 $0x2, s8;
	s8 =	sshll.u32 s8, $0x9  }
0xd: {  	_ =	strace $0x80000047;
	s28 =	sshrl.u32 s10, $0x1;
	s8 =	sor.u32 s8, s11  }
0xe: {  	s29 =	ssub.s32 s10, s28;
	s30 =	sshrl.u32 s8, $0x3;
	s8 =	sshll.u32 s8, $0x4  }
0xf: {  	s5 =	sadd.s32 s5, s30;
	s6 =	sadd.s32 s6, s30;
	s31 =	sor.u32 $0x1000, s8  }
0x10: {  	s7 =	sadd.s32 s9, s8;
	s8 =	sadd.s32 s12, s8;
	s11 =	smax.u32 s29, $0x1  }
0x11: {  	s9 =	sadd.s32 s9, s31;
	s10 =	sadd.s32 s12, s31;
	s12 =	simm.s32 $0x2  }
.LBB2_1:
0x12: {  	[tilespmem:s1], [sflag:$0x2] =	stream.linear.gather [hbm4b:s5+s1], $0x200, $0x38;
	[tilespmem:$0x10400] =	vst v63  }
0x13: {  	_ =	swait.ge [sflag:s12], $0x200  }
0x14: {  	[sflag:s12] =	ssyncset.done $0x0  }
0x15: {  	[sflag:s12] =	ssyncadd.s32 $0xFFFFFE00  }
0x16: {  	[tilespmem:s13], [sflag:$0x2] =	stream.linear.gather [hbm4b:s6+s1], $0x200, $0x38;
	[tilespmem:$0x10400] =	vst v63  }
0x17: {  	_ =	swait.ge [sflag:s12], $0x200  }
0x18: {  	[sflag:s12] =	ssyncset.done $0x0  }
0x19: {  	[sflag:s12] =	ssyncadd.s32 $0xFFFFFE00  }
0x1a: {  	v0 =	vld [tilespmem:$0x0]  }
0x1b: {  	v1 =	vld [tilespmem:$0x200]  }
0x1c: {  	v2 =	vld [tilespmem:$0x10]  }
0x1d: {  	v3 =	vld [tilespmem:$0x210]  }
0x1e: {  	v4 =	vld [tilespmem:$0x20]  }
0x1f: {  	v5 =	vld [tilespmem:$0x220];
	v0 =	vand.u32 $0x3FFFF, v0  }
0x20: {  	v57 =	vld [tilespmem:$0x30];
	v56 =	vand.u32 $0x3FFFF, v1;
	[tilespmem:$0x0] =	vst v0  }
0x21: {  	v59 =	vld [tilespmem:$0x230];
	v58 =	vand.u32 $0x3FFFF, v2;
	[tilespmem:$0x200] =	vst v56  }
0x22: {  	v61 =	vld [tilespmem:$0x40];
	v60 =	vand.u32 $0x3FFFF, v3;
	[tilespmem:$0x10] =	vst v58  }
0x23: {  	v63 =	vld [tilespmem:$0x240];
	v62 =	vand.u32 $0x3FFFF, v4;
	[tilespmem:$0x210] =	vst v60  }
0x24: {  	v9 =	vld [tilespmem:$0x50];
	v8 =	vand.u32 $0x3FFFF, v5;
	[tilespmem:$0x20] =	vst v62  }
0x25: {  	v11 =	vld [tilespmem:$0x250];
	v10 =	vand.u32 $0x3FFFF, v57;
	[tilespmem:$0x220] =	vst v8  }
0x26: {  	v13 =	vld [tilespmem:$0x60];
	v12 =	vand.u32 $0x3FFFF, v59;
	[tilespmem:$0x30] =	vst v10  }
0x27: {  	v15 =	vld [tilespmem:$0x260];
	v14 =	vand.u32 $0x3FFFF, v61;
	[tilespmem:$0x230] =	vst v12  }
0x28: {  	v17 =	vld [tilespmem:$0x70];
	v16 =	vand.u32 $0x3FFFF, v63;
	[tilespmem:$0x40] =	vst v14  }
0x29: {  	v19 =	vld [tilespmem:$0x270];
	v18 =	vand.u32 $0x3FFFF, v9;
	[tilespmem:$0x240] =	vst v16  }
0x2a: {  	v21 =	vld [tilespmem:$0x80];
	v20 =	vand.u32 $0x3FFFF, v11;
	[tilespmem:$0x50] =	vst v18  }
0x2b: {  	v23 =	vld [tilespmem:$0x280];
	v22 =	vand.u32 $0x3FFFF, v13;
	[tilespmem:$0x250] =	vst v20  }
0x2c: {  	v25 =	vld [tilespmem:$0x90];
	v24 =	vand.u32 $0x3FFFF, v15;
	[tilespmem:$0x60] =	vst v22  }
0x2d: {  	v27 =	vld [tilespmem:$0x290];
	v26 =	vand.u32 $0x3FFFF, v17;
	[tilespmem:$0x260] =	vst v24  }
0x2e: {  	v29 =	vld [tilespmem:$0xA0];
	v28 =	vand.u32 $0x3FFFF, v19;
	[tilespmem:$0x70] =	vst v26  }
0x2f: {  	v31 =	vld [tilespmem:$0x2A0];
	v30 =	vand.u32 $0x3FFFF, v21;
	[tilespmem:$0x270] =	vst v28  }
0x30: {  	v33 =	vld [tilespmem:$0xB0];
	v32 =	vand.u32 $0x3FFFF, v23;
	[tilespmem:$0x80] =	vst v30  }
0x31: {  	v35 =	vld [tilespmem:$0x2B0];
	v34 =	vand.u32 $0x3FFFF, v25;
	[tilespmem:$0x280] =	vst v32  }
0x32: {  	v37 =	vld [tilespmem:$0xC0];
	v36 =	vand.u32 $0x3FFFF, v27;
	[tilespmem:$0x90] =	vst v34  }
0x33: {  	v39 =	vld [tilespmem:$0x2C0];
	v38 =	vand.u32 $0x3FFFF, v29;
	[tilespmem:$0x290] =	vst v36  }
0x34: {  	v41 =	vld [tilespmem:$0xD0];
	v40 =	vand.u32 $0x3FFFF, v31;
	[tilespmem:$0xA0] =	vst v38  }
0x35: {  	v43 =	vld [tilespmem:$0x2D0];
	v42 =	vand.u32 $0x3FFFF, v33;
	[tilespmem:$0x2A0] =	vst v40  }
0x36: {  	v45 =	vld [tilespmem:$0xE0];
	v44 =	vand.u32 $0x3FFFF, v35;
	[tilespmem:$0xB0] =	vst v42  }
0x37: {  	v55 =	vld [tilespmem:$0x300];
	v46 =	vand.u32 $0x3FFFF, v37;
	[tilespmem:$0x2B0] =	vst v44  }
0x38: {  	v47 =	vld [tilespmem:$0x2E0];
	v48 =	vand.u32 $0x3FFFF, v39;
	[tilespmem:$0xC0] =	vst v46  }
0x39: {  	v49 =	vld [tilespmem:$0xF0];
	v50 =	vand.u32 $0x3FFFF, v41;
	[tilespmem:$0x2C0] =	vst v48  }
0x3a: {  	v51 =	vld [tilespmem:$0x2F0];
	v52 =	vand.u32 $0x3FFFF, v43;
	[tilespmem:$0xD0] =	vst v50  }
0x3b: {  	v53 =	vld [tilespmem:$0x100];
	v54 =	vand.u32 $0x3FFFF, v45;
	[tilespmem:$0x2D0] =	vst v52  }
0x3c: {  	v57 =	vld [tilespmem:$0x110];
	v7 =	vand.u32 $0x3FFFF, v55;
	[tilespmem:$0xE0] =	vst v54  }
0x3d: {  	v59 =	vld [tilespmem:$0x310];
	v56 =	vand.u32 $0x3FFFF, v47;
	[tilespmem:$0x300] =	vst v7  }
0x3e: {  	v61 =	vld [tilespmem:$0x120];
	v58 =	vand.u32 $0x3FFFF, v49;
	[tilespmem:$0x2E0] =	vst v56  }
0x3f: {  	v63 =	vld [tilespmem:$0x320];
	v60 =	vand.u32 $0x3FFFF, v51;
	[tilespmem:$0xF0] =	vst v58  }
0x40: {  	v62 =	vand.u32 $0x3FFFF, v53;
	v8 =	vld [tilespmem:$0x130];
	[tilespmem:$0x2F0] =	vst v60  }
0x41: {  	v10 =	vld [tilespmem:$0x330];
	[tilespmem:$0x100] =	vst v62;
	v9 =	vand.u32 $0x3FFFF, v57  }
0x42: {  	v12 =	vld [tilespmem:$0x140];
	v11 =	vand.u32 $0x3FFFF, v59;
	[tilespmem:$0x110] =	vst v9  }
0x43: {  	v14 =	vld [tilespmem:$0x340];
	v13 =	vand.u32 $0x3FFFF, v61;
	[tilespmem:$0x310] =	vst v11  }
0x44: {  	v16 =	vld [tilespmem:$0x150];
	v15 =	vand.u32 $0x3FFFF, v63;
	[tilespmem:$0x120] =	vst v13  }
0x45: {  	v18 =	vld [tilespmem:$0x350];
	[tilespmem:$0x320] =	vst v15;
	v17 =	vand.u32 $0x3FFFF, v8  }
0x46: {  	v20 =	vld [tilespmem:$0x160];
	v19 =	vand.u32 $0x3FFFF, v10;
	[tilespmem:$0x130] =	vst v17  }
0x47: {  	v22 =	vld [tilespmem:$0x360];
	v21 =	vand.u32 $0x3FFFF, v12;
	[tilespmem:$0x330] =	vst v19  }
0x48: {  	v24 =	vld [tilespmem:$0x170];
	v23 =	vand.u32 $0x3FFFF, v14;
	[tilespmem:$0x140] =	vst v21  }
0x49: {  	v26 =	vld [tilespmem:$0x370];
	v25 =	vand.u32 $0x3FFFF, v16;
	[tilespmem:$0x340] =	vst v23  }
0x4a: {  	v28 =	vld [tilespmem:$0x180];
	v27 =	vand.u32 $0x3FFFF, v18;
	[tilespmem:$0x150] =	vst v25  }
0x4b: {  	v30 =	vld [tilespmem:$0x380];
	v29 =	vand.u32 $0x3FFFF, v20;
	[tilespmem:$0x350] =	vst v27  }
0x4c: {  	v32 =	vld [tilespmem:$0x190];
	v31 =	vand.u32 $0x3FFFF, v22;
	[tilespmem:$0x160] =	vst v29  }
0x4d: {  	v34 =	vld [tilespmem:$0x390];
	v33 =	vand.u32 $0x3FFFF, v24;
	[tilespmem:$0x360] =	vst v31  }
0x4e: {  	v36 =	vld [tilespmem:$0x1A0];
	v35 =	vand.u32 $0x3FFFF, v26;
	[tilespmem:$0x170] =	vst v33  }
0x4f: {  	v38 =	vld [tilespmem:$0x3A0];
	v37 =	vand.u32 $0x3FFFF, v28;
	[tilespmem:$0x370] =	vst v35  }
0x50: {  	v40 =	vld [tilespmem:$0x1B0];
	v39 =	vand.u32 $0x3FFFF, v30;
	[tilespmem:$0x180] =	vst v37  }
0x51: {  	v42 =	vld [tilespmem:$0x3B0];
	v41 =	vand.u32 $0x3FFFF, v32;
	[tilespmem:$0x380] =	vst v39  }
0x52: {  	v44 =	vld [tilespmem:$0x1C0];
	v43 =	vand.u32 $0x3FFFF, v34;
	[tilespmem:$0x190] =	vst v41  }
0x53: {  	v46 =	vld [tilespmem:$0x3C0];
	v45 =	vand.u32 $0x3FFFF, v36;
	[tilespmem:$0x390] =	vst v43  }
0x54: {  	v48 =	vld [tilespmem:$0x1D0];
	v47 =	vand.u32 $0x3FFFF, v38;
	[tilespmem:$0x1A0] =	vst v45  }
0x55: {  	v50 =	vld [tilespmem:$0x3D0];
	v49 =	vand.u32 $0x3FFFF, v40;
	[tilespmem:$0x3A0] =	vst v47  }
0x56: {  	v52 =	vld [tilespmem:$0x1E0];
	v51 =	vand.u32 $0x3FFFF, v42;
	[tilespmem:$0x1B0] =	vst v49  }
0x57: {  	v54 =	vld [tilespmem:$0x3E0];
	v53 =	vand.u32 $0x3FFFF, v44;
	[tilespmem:$0x3B0] =	vst v51  }
0x58: {  	v56 =	vld [tilespmem:$0x1F0];
	v55 =	vand.u32 $0x3FFFF, v46;
	[tilespmem:$0x1C0] =	vst v53  }
0x59: {  	v58 =	vld [tilespmem:$0x3F0];
	v57 =	vand.u32 $0x3FFFF, v48;
	[tilespmem:$0x3C0] =	vst v55  }
0x5a: {  	v59 =	vand.u32 $0x3FFFF, v50;
	[tilespmem:$0x1D0] =	vst v57  }
0x5b: {  	v60 =	vand.u32 $0x3FFFF, v52;
	[tilespmem:$0x3D0] =	vst v59  }
0x5c: {  	v61 =	vand.u32 $0x3FFFF, v54;
	[tilespmem:$0x1E0] =	vst v60  }
0x5d: {  	[tilespmem:$0x3E0] =	vst v61;
	v62 =	vand.u32 $0x3FFFF, v56  }
0x5e: {  	v63 =	vand.u32 $0x3FFFF, v58;
	[tilespmem:$0x1F0] =	vst v62  }
0x5f: {  	[tilespmem:$0x3F0] =	vst v63  }
0x60: {  	[tilespmem:s15], [sflag:$0x1] =	stream.indirect.gather [hbm4b:s3+s14], $0x80, s1, s14, $0xb8;
	[tilespmem:$0x10400] =	vst v63  }
0x61: {  	_ = 	snop  }
0x62: {  	[tilespmem:s16], [sflag:$0x1] =	stream.indirect.gather [hbm4b:s4+s14], $0x80, s13, s14, $0xb8;
	[tilespmem:$0x10400] =	vst v63  }
0x63: {  	_ = 	snop  }
0x64: {  	[tilespmem:s17], [sflag:$0x1] =	stream.indirect.gather [hbm4b:s3+s14], $0x80, s14, s14, $0xb8;
	[tilespmem:$0x10400] =	vst v63  }
0x65: {  	_ = 	snop  }
0x66: {  	[tilespmem:s19], [sflag:$0x1] =	stream.indirect.gather [hbm4b:s4+s14], $0x80, s18, s14, $0xb8;
	[tilespmem:$0x10400] =	vst v63  }
0x67: {  	_ =	swait.ge [sflag:s20], $0x8000  }
0x68: {  	[sflag:s20] =	ssyncset.done $0x0  }
0x69: {  	[sflag:s20] =	ssyncadd.s32 $0xFFFF8000  }
0x6a: {  	_ =	swait.ge [sflag:s20], $0x8000  }
0x6b: {  	[sflag:s20] =	ssyncset.done $0x0  }
0x6c: {  	[sflag:s20] =	ssyncadd.s32 $0xFFFF8000  }
0x6d: {  	[hbm4b:s7+s1] =	stream.linear.scatter [tilespmem:s15], [sflag:$0x2], $0x8000, $0x38;
	[tilespmem:$0x10400] =	vst v63  }
0x6e: {  	_ =	swait.ge [sflag:s12], $0x8000  }
0x6f: {  	[sflag:s12] =	ssyncset.done $0x0  }
0x70: {  	[sflag:s12] =	ssyncadd.s32 $0xFFFF8000  }
0x71: {  	[hbm4b:s8+s1] =	stream.linear.scatter [tilespmem:s16], [sflag:$0x2], $0x8000, $0x38;
	[tilespmem:$0x10400] =	vst v63  }
0x72: {  	_ =	swait.ge [sflag:s12], $0x8000  }
0x73: {  	[sflag:s12] =	ssyncset.done $0x0  }
0x74: {  	[sflag:s12] =	ssyncadd.s32 $0xFFFF8000  }
0x75: {  	[tilespmem:s15], [sflag:$0x1] =	stream.indirect.gather [hbm4b:s3+s14], $0x80, s21, s14, $0xb8;
	[tilespmem:$0x10400] =	vst v63  }
0x76: {  	_ = 	snop  }
0x77: {  	[tilespmem:s16], [sflag:$0x1] =	stream.indirect.gather [hbm4b:s4+s14], $0x80, s22, s14, $0xb8;
	[tilespmem:$0x10400] =	vst v63  }
0x78: {  	_ = 	snop  }
0x79: {  	[tilespmem:s17], [sflag:$0x1] =	stream.indirect.gather [hbm4b:s3+s14], $0x80, s23, s14, $0xb8;
	[tilespmem:$0x10400] =	vst v63  }
0x7a: {  	_ = 	snop  }
0x7b: {  	[tilespmem:s19], [sflag:$0x1] =	stream.indirect.gather [hbm4b:s4+s14], $0x80, s24, s14, $0xb8;
	[tilespmem:$0x10400] =	vst v63  }
0x7c: {  	_ =	swait.ge [sflag:s20], $0x8000  }
0x7d: {  	[sflag:s20] =	ssyncset.done $0x0  }
0x7e: {  	[sflag:s20] =	ssyncadd.s32 $0xFFFF8000  }
0x7f: {  	_ =	swait.ge [sflag:s20], $0x8000  }
0x80: {  	[sflag:s20] =	ssyncset.done $0x0  }
0x81: {  	[sflag:s20] =	ssyncadd.s32 $0xFFFF8000  }
0x82: {  	[hbm4b:s9+s1] =	stream.linear.scatter [tilespmem:s15], [sflag:$0x2], $0x8000, $0x38;
	[tilespmem:$0x10400] =	vst v63  }
0x83: {  	_ =	swait.ge [sflag:s12], $0x8000  }
0x84: {  	p0 =	sne.s32 s11, $0x1;
	[sflag:s12] =	ssyncset.done $0x0  }
.Ltmp0:
0x85: {  	[sflag:s12] =	ssyncadd.s32 $0xFFFF8000;
	(pc) =	sbr.rel @p0 .LBB2_1-.Ltmp0, $4  }
0x86: {  	[hbm4b:s10+s1] =	stream.linear.scatter [tilespmem:s16], [sflag:$0x2], $0x8000, $0x38;
	[tilespmem:$0x10400] =	vst v63  }
0x87: {  	_ =	swait.ge [sflag:s12], $0x8000  }
0x88: {  	[sflag:s12] =	ssyncset.done $0x0  }
0x89: {  	s11 =	sadd.s32 $0xFFFFFFFF, s11;
	[sflag:s12] =	ssyncadd.s32 $0xFFFF8000  }
0x8a: {  	_ =	sfence.sel $0x180000  }
0x8b: {  	[bflag:$0x0] =	sbarrier.arrive $0xFFFF  }
0x8c: {  	p0 =	sne.s32 s2, $0x0;
	_ =	strace $0x90000047  }
0x8d: {  	s0 =	sadd.s32 @!p0 $0x100000, s0;
	[bflag:$0x2] =	sbarrier.arrive $0xFFFF  }
0x8e: {  	[sflag:s0] =	ssyncadd.tile.s32 @!p0 $0x1;
	_ =	shalt  }
.Lfunc_end2:
_tile_overlayer_lowered:
.L_overlay_start_2:
0x8f: {  	(tag) =	ssettag $0x2  }
0x90: {  	s0 =	rddreg [dreg:$0x0];
	s2 =	stileid.u32  }
0x91: {  	s1 =	rddreg [dreg:$0x1];
	p0 =	sne.s32 s2, $0x0  }
0x92: {  	s3 =	rddreg [dreg:$0x2];
	[bflag:$0x3] =	sbarrier.arrive $0xFFFF;
	s2 =	simm.s32 @!p0 $0x1C02  }
0x93: {  	[timem:s3], [sflag:s2] =	dma.local @!p0 [hbm:s0], s1  }
0x94: {  	s0 =	simm.s32 @!p0 $0x2  }
0x95: {  	_ =	swait.ge @!p0 [sflag:s0], s1  }
0x96: {  	s1 =	ssub.s32 @!p0 $0x0, s1;
	[sflag:s0] =	ssyncset.done @!p0 $0x0  }
0x97: {  	[sflag:s0] =	ssyncadd.s32 @!p0 s1  }
0x98: {  	[bflag:$0x3] =	sbarrier.arrive $0xFFFF  }
0x99: {  	_ =	shalt  }

</sc_bundles>
